<compile_context>
chip_gen: v7x
topology: tpu7x:2x2x1
jax: 0.10.2.dev20260603
libtpu: 0.0.44.dev20260713+nightly
codegen_flags: <defaults>
</compile_context>

<pallas_src>
import functools

import jax
import jax.numpy as jnp
from jax import lax
from jax.experimental import pallas as pl
from jax.experimental.pallas import tpu as pltpu
from jax.experimental.pallas import tpu_sc as plsc

_EPS = 1e-09
_THRESHOLD = 0.2
_CAPACITY_FACTOR = 1.25
_MIN_EXPERT = 4
_CHUNK = 256


def _excl_cumsum_tokens(m, n, e):
    c = _CHUNK
    nc = n // c
    ri = lax.broadcasted_iota(jnp.int32, (c, c), 0)
    ci = lax.broadcasted_iota(jnp.int32, (c, c), 1)
    ltri = (ci < ri).astype(jnp.float32)
    parts = []
    run = jnp.zeros((1, e), jnp.float32)
    for k in range(nc):
        chunk = m[k * c:(k + 1) * c, :]
        within = jnp.dot(ltri, chunk, preferred_element_type=jnp.float32)
        parts.append(within + run)
        run = run + jnp.sum(chunk, axis=0, keepdims=True)
    return jnp.concatenate(parts, axis=0)


def _route_body(n, e, cap, x_ref, w_ref, off1_ref, val1_ref, off2_ref,
                val2_ref):
    xb = x_ref[0]
    w = w_ref[...]
    logits = jnp.dot(xb.astype(jnp.bfloat16), w.astype(jnp.bfloat16),
                     preferred_element_type=jnp.float32)
    lmax = jnp.max(logits, axis=1, keepdims=True)
    ex = jnp.exp(logits - lmax)
    g = ex / jnp.sum(ex, axis=1, keepdims=True)

    eio = lax.broadcasted_iota(jnp.int32, (n, e), 1)
    m1 = jnp.max(g, axis=1, keepdims=True)
    idx1 = jnp.min(jnp.where(g == m1, eio, e), axis=1, keepdims=True)
    mask1 = (eio == idx1).astype(jnp.float32)
    gm = g * (1.0 - mask1)
    m2 = jnp.max(gm, axis=1, keepdims=True)
    idx2 = jnp.min(jnp.where(gm == m2, eio, e), axis=1, keepdims=True)

    g1n = m1 / (m1 + m2 + _EPS)
    g2n = m2 / (g1n + m2 + _EPS)
    thr = (g2n > _THRESHOLD).astype(jnp.float32)
    mask2 = (eio == idx2).astype(jnp.float32) * thr

    p1_full = _excl_cumsum_tokens(mask1, n, e)
    q2_full = _excl_cumsum_tokens(mask2, n, e)
    p1 = jnp.sum(p1_full * mask1, axis=1, keepdims=True)
    cnt1 = jnp.minimum(jnp.sum(mask1, axis=0, keepdims=True),
                       float(cap))
    p2 = jnp.sum((q2_full + cnt1) * mask2, axis=1, keepdims=True)

    keep1 = (p1 < float(cap)).astype(jnp.float32)
    keep2 = thr * (p2 < float(cap)).astype(jnp.float32)
    fcap = float(cap - 1)
    trash = e * cap + (lax.broadcasted_iota(jnp.int32, (n, 1), 0) & 15)
    s1 = idx1 * cap + jnp.minimum(p1, fcap).astype(jnp.int32)
    s2 = idx2 * cap + jnp.minimum(p2, fcap).astype(jnp.int32)
    off1_ref[0] = jnp.where(keep1 > 0.0, s1, trash)
    off2_ref[0] = jnp.where(keep2 > 0.0, s2, trash)
    val1_ref[0] = g1n * keep1
    val2_ref[0] = g2n * keep2


def _route(x, w):
    b, n, d = x.shape
    e = w.shape[-1]
    cap = max(min(n, int(n * _CAPACITY_FACTOR / e)), _MIN_EXPERT)
    out_sd = [
        jax.ShapeDtypeStruct((b, n, 1), jnp.int32),
        jax.ShapeDtypeStruct((b, n, 1), jnp.float32),
        jax.ShapeDtypeStruct((b, n, 1), jnp.int32),
        jax.ShapeDtypeStruct((b, n, 1), jnp.float32),
    ]
    osp = pl.BlockSpec((1, n, 1), lambda i: (i, 0, 0))
    return pl.pallas_call(
        functools.partial(_route_body, n, e, cap),
        grid=(b,),
        in_specs=[
            pl.BlockSpec((1, n, d), lambda i: (i, 0, 0)),
            pl.BlockSpec((d, e), lambda i: (0, 0)),
        ],
        out_specs=[osp, osp, osp, osp],
        out_shape=out_sd,
    )(x, w)


def _tables(off1, val1, off2, val2, b, n, ecap):
    info = plsc.get_sparse_core_info()
    nc = info.num_cores
    mesh = plsc.VectorSubcoreMesh(core_axis_name="c", subcore_axis_name="s")

    def body(off1_h, val1_h, off2_h, val2_h, tok_h, gate_h, off1_v, val1_v,
             off2_v, val2_v, tok_v, gate_v):
        wid = lax.axis_index("s") * nc + lax.axis_index("c")

        @pl.when(wid < b)
        def _():
            base = wid * n
            pltpu.sync_copy(off1_h.at[pl.ds(base, n)], off1_v)
            pltpu.sync_copy(val1_h.at[pl.ds(base, n)], val1_v)
            pltpu.sync_copy(off2_h.at[pl.ds(base, n)], off2_v)
            pltpu.sync_copy(val2_h.at[pl.ds(base, n)], val2_v)

            def zero_body(i, carry):
                sl = pl.ds(i * 16, 16)
                tok_v[sl] = jnp.zeros((16,), jnp.int32)
                gate_v[sl] = jnp.zeros((16,), jnp.float32)
                return carry

            lax.fori_loop(0, ecap // 16, zero_body, 0)

            lane = jnp.arange(16, dtype=jnp.int32)

            def scat_body(i, carry):
                sl = pl.ds(i * 16, 16)
                t = lane + i * 16
                o1 = off1_v[sl]
                plsc.store_scatter(tok_v, [o1], t)
                plsc.store_scatter(gate_v, [o1], val1_v[sl])
                o2 = off2_v[sl]
                plsc.store_scatter(tok_v, [o2], t)
                plsc.store_scatter(gate_v, [o2], val2_v[sl])
                return carry

            lax.fori_loop(0, n // 16, scat_body, 0)
            pltpu.sync_copy(tok_v.at[pl.ds(0, ecap)], tok_h.at[wid])
            pltpu.sync_copy(gate_v.at[pl.ds(0, ecap)], gate_h.at[wid])

    run = pl.kernel(
        body,
        out_type=(
            jax.ShapeDtypeStruct((b, ecap), jnp.int32),
            jax.ShapeDtypeStruct((b, ecap), jnp.float32),
        ),
        mesh=mesh,
        compiler_params=pltpu.CompilerParams(needs_layout_passes=False),
        scratch_types=[
            pltpu.VMEM((n,), jnp.int32),
            pltpu.VMEM((n,), jnp.float32),
            pltpu.VMEM((n,), jnp.int32),
            pltpu.VMEM((n,), jnp.float32),
            pltpu.VMEM((ecap + 16,), jnp.int32),
            pltpu.VMEM((ecap + 16,), jnp.float32),
        ],
    )
    return run(off1, val1, off2, val2)


def _expand_body(tspan, tok_ref, gate_ref, out_ref):
    t0 = pl.program_id(1) * tspan
    tok = tok_ref[0] - t0
    gate = gate_ref[0]
    shape = tok.shape + (tspan,)
    tio = lax.broadcasted_iota(jnp.int32, shape, 2)
    out_ref[0] = jnp.where(tio == tok[..., None], gate[..., None], 0.0)


def _expand(tok, gate, b, n, e, cap, tspan=1024):
    out = pl.pallas_call(
        functools.partial(_expand_body, tspan),
        grid=(b, n // tspan),
        in_specs=[
            pl.BlockSpec((1, e, cap), lambda i, j: (i, 0, 0)),
            pl.BlockSpec((1, e, cap), lambda i, j: (i, 0, 0)),
        ],
        out_specs=pl.BlockSpec((1, e, cap, tspan), lambda i, j: (i, 0, 0, j)),
        out_shape=jax.ShapeDtypeStruct((b, e, cap, n), jnp.float32),
    )(tok, gate)
    return jnp.transpose(out, (0, 3, 1, 2))


def kernel(x, gating_weights):
    b, n, d = x.shape
    e = gating_weights.shape[-1]
    cap = max(min(n, int(n * _CAPACITY_FACTOR / e)), _MIN_EXPERT)
    off1, val1, off2, val2 = _route(x, gating_weights)
    tok, gate = _tables(off1.reshape(b * n), val1.reshape(b * n),
                        off2.reshape(b * n), val2.reshape(b * n),
                        b=b, n=n, ecap=e * cap)
    return _expand(tok.reshape(b, e, cap), gate.reshape(b, e, cap),
                   b=b, n=n, e=e, cap=cap)

# --- scband reference (transcript-rebuilt; emitter-appended) ---
"""Pipeline reference for scband-top2-threshold-gating-3126736191786 (READ-ONLY COPY).

The authoritative reference and input builder live on the scoring server;
editing this copy changes nothing except your own understanding.
"""

import jax, jax.numpy as jnp
import numpy as np

DIM = 1024
NUM_GATES = 8
EPS = 1e-09
THRESHOLD = 0.2
CAPACITY_FACTOR = 1.25  # training-mode idx=0 (torch nn.Module default training=True)
MIN_EXPERT = 4


def _excl_cumsum(t):
    # F.pad(t, (0,0,1,0)).cumsum(dim=-2)[..., :-1, :] -> exclusive cumsum along token dim
    z = jnp.zeros_like(t[..., :1, :])
    padded = jnp.concatenate([z, t], axis=-2)
    return jnp.cumsum(padded, axis=-2)[..., :-1, :]


def setup_inputs(seed: int = 0) -> dict:
    key = jax.random.key(seed)
    k1, k2 = jax.random.split(key)
    x = jax.random.normal(k1, (4, 2048, DIM), dtype=jnp.float32)
    gating_weights = jax.random.normal(k2, (DIM, NUM_GATES), dtype=jnp.float32)
    return {"x": x, "gating_weights": gating_weights}


def reference(x, gating_weights):
    b, n, d = x.shape[-3], x.shape[-2], x.shape[-1]
    E = NUM_GATES
    expert_capacity = max(min(n, int(n * CAPACITY_FACTOR / E)), MIN_EXPERT)

    raw_gates = jnp.einsum('...bnd,...de->...bne', x, gating_weights)
    raw_gates = jax.nn.softmax(raw_gates, axis=-1)

    v1, i1 = jax.lax.top_k(raw_gates, 1)
    gate_1 = v1[..., 0]
    index_1 = i1[..., 0]
    mask_1 = jax.nn.one_hot(index_1, E, dtype=jnp.float32)

    gates_without_top_1 = raw_gates * (1.0 - mask_1)
    v2, i2 = jax.lax.top_k(gates_without_top_1, 1)
    gate_2 = v2[..., 0]
    index_2 = i2[..., 0]
    mask_2 = jax.nn.one_hot(index_2, E, dtype=jnp.float32)

    # NB: sequential update exactly as in torch (gate_1 updated before gate_2's denominator)
    gate_1 = gate_1 / (gate_1 + gate_2 + EPS)
    gate_2 = gate_2 / (gate_1 + gate_2 + EPS)

    mask_2 = mask_2 * (gate_2 > THRESHOLD)[..., None].astype(jnp.float32)

    position_in_expert_1 = _excl_cumsum(mask_1) * mask_1
    mask_1 = mask_1 * (position_in_expert_1 < float(expert_capacity)).astype(jnp.float32)
    mask_1_flat = mask_1.sum(axis=-1)
    position_in_expert_1 = position_in_expert_1.sum(axis=-1)
    gate_1 = gate_1 * mask_1_flat

    mask_1_count = mask_1.sum(axis=-2, keepdims=True)
    position_in_expert_2 = (_excl_cumsum(mask_2) + mask_1_count) * mask_2
    mask_2 = mask_2 * (position_in_expert_2 < float(expert_capacity)).astype(jnp.float32)
    mask_2_flat = mask_2.sum(axis=-1)
    position_in_expert_2 = position_in_expert_2.sum(axis=-1)
    gate_2 = gate_2 * mask_2_flat

    # jax.nn.one_hot yields zeros for out-of-range indices, matching _safe_one_hot's slice behavior
    pos1_oh = jax.nn.one_hot(position_in_expert_1.astype(jnp.int32), expert_capacity, dtype=jnp.float32)
    pos2_oh = jax.nn.one_hot(position_in_expert_2.astype(jnp.int32), expert_capacity, dtype=jnp.float32)
    idx1_oh = jax.nn.one_hot(index_1, E, dtype=jnp.float32)
    idx2_oh = jax.nn.one_hot(index_2, E, dtype=jnp.float32)

    routing_tensor_1 = (gate_1 * mask_1_flat)[..., None, None] * idx1_oh[..., None] * pos1_oh[..., None, :]
    routing_tensor_2 = (gate_2 * mask_2_flat)[..., None, None] * idx2_oh[..., None] * pos2_oh[..., None, :]
    return routing_tensor_1 + routing_tensor_2

if __name__ == "__main__":
    import jax
    _d = setup_inputs()
    print(jax.jit(kernel)(*tuple(_d.values())))

</pallas_src>

<mosaic_0001>
#map = affine_map<(d0, d1) -> (0)>
#map1 = affine_map<(d0, d1) -> (0, 0)>
module attributes {stable_mosaic.version = 14 : i64} {
  func.func @body(%arg0: i32, %arg1: i32, %arg2: memref<8192xi32, #tpu.memory_space<hbm>>, %arg3: memref<8192xf32, #tpu.memory_space<hbm>>, %arg4: memref<8192xi32, #tpu.memory_space<hbm>>, %arg5: memref<8192xf32, #tpu.memory_space<hbm>>, %arg6: memref<4x2560xi32, #tpu.memory_space<hbm>>, %arg7: memref<4x2560xf32, #tpu.memory_space<hbm>>, %arg8: memref<2048xi32, #tpu.memory_space<vmem>>, %arg9: memref<2048xf32, #tpu.memory_space<vmem>>, %arg10: memref<2048xi32, #tpu.memory_space<vmem>>, %arg11: memref<2048xf32, #tpu.memory_space<vmem>>, %arg12: memref<2576xi32, #tpu.memory_space<vmem>>, %arg13: memref<2576xf32, #tpu.memory_space<vmem>>) attributes {dimension_semantics = [#tpu.dimension_semantics<core_parallel>, #tpu.dimension_semantics<subcore_parallel>], iteration_bounds = array<i64: 2, 16>, scalar_prefetch = 0 : i64, scratch_operands = 6 : i64, tpu.core_type = #tpu.core_type<sc_vector_subcore>, window_params = [{transform_indices = #map}, {transform_indices = #map}, {transform_indices = #map}, {transform_indices = #map}, {transform_indices = #map1}, {transform_indices = #map1}]} {
    %mul3A = arith.constant 2 : i32
    %mul3A_0 = arith.muli %arg1, %mul3A : i32
    %add3A = arith.addi %mul3A_0, %arg0 : i32
    %lt3A = arith.constant 4 : i32
    %lt3A_1 = arith.cmpi slt, %add3A, %lt3A : i32
    %convert_element_type3A = arith.extui %lt3A_1 : i1 to i32
    %cond3A = arith.constant 0 : i32
    %cond3A_2 = arith.cmpi ne, %convert_element_type3A, %cond3A : i32
    scf.if %cond3A_2 {
      %mul3A_3 = arith.constant 2048 : i32
      %mul3A_4 = arith.muli %add3A, %mul3A_3 : i32
      "tpu.region"() ({
        %run_scoped3A = tpu.sem_alloc : memref<!tpu.dma_semaphore, #tpu.memory_space<semaphore_mem>>
        %dma_start3A = tpu.memref_slice %arg2[%mul3A_4] : memref<8192xi32, #tpu.memory_space<hbm>> -> memref<2048xi32, #tpu.memory_space<hbm>>
        %dma_start3A_16 = tpu.memref_slice %arg2[%mul3A_4] : memref<8192xi32, #tpu.memory_space<hbm>> -> memref<2048xi32, #tpu.memory_space<hbm>>
        tpu.enqueue_dma source(%dma_start3A_16 : memref<2048xi32, #tpu.memory_space<hbm>>) target(%arg8 : memref<2048xi32, #tpu.memory_space<vmem>>) target_semaphore(%run_scoped3A : memref<!tpu.dma_semaphore, #tpu.memory_space<semaphore_mem>>)
        %dma_wait3A = tpu.memref_slice %arg2[%mul3A_4] : memref<8192xi32, #tpu.memory_space<hbm>> -> memref<2048xi32, #tpu.memory_space<hbm>>
        %dma_wait3A_17 = tpu.memref_slice %arg2[%mul3A_4] : memref<8192xi32, #tpu.memory_space<hbm>> -> memref<2048xi32, #tpu.memory_space<hbm>>
        tpu.wait_dma2 semaphore(%run_scoped3A : memref<!tpu.dma_semaphore, #tpu.memory_space<semaphore_mem>>) src(%dma_wait3A_17 : memref<2048xi32, #tpu.memory_space<hbm>>) dst(%arg8 : memref<2048xi32, #tpu.memory_space<vmem>>)
        tpu.yield
      }) : () -> ()
      "tpu.region"() ({
        %run_scoped3A = tpu.sem_alloc : memref<!tpu.dma_semaphore, #tpu.memory_space<semaphore_mem>>
        %dma_start3A = tpu.memref_slice %arg3[%mul3A_4] : memref<8192xf32, #tpu.memory_space<hbm>> -> memref<2048xf32, #tpu.memory_space<hbm>>
        %dma_start3A_16 = tpu.memref_slice %arg3[%mul3A_4] : memref<8192xf32, #tpu.memory_space<hbm>> -> memref<2048xf32, #tpu.memory_space<hbm>>
        tpu.enqueue_dma source(%dma_start3A_16 : memref<2048xf32, #tpu.memory_space<hbm>>) target(%arg9 : memref<2048xf32, #tpu.memory_space<vmem>>) target_semaphore(%run_scoped3A : memref<!tpu.dma_semaphore, #tpu.memory_space<semaphore_mem>>)
        %dma_wait3A = tpu.memref_slice %arg3[%mul3A_4] : memref<8192xf32, #tpu.memory_space<hbm>> -> memref<2048xf32, #tpu.memory_space<hbm>>
        %dma_wait3A_17 = tpu.memref_slice %arg3[%mul3A_4] : memref<8192xf32, #tpu.memory_space<hbm>> -> memref<2048xf32, #tpu.memory_space<hbm>>
        tpu.wait_dma2 semaphore(%run_scoped3A : memref<!tpu.dma_semaphore, #tpu.memory_space<semaphore_mem>>) src(%dma_wait3A_17 : memref<2048xf32, #tpu.memory_space<hbm>>) dst(%arg9 : memref<2048xf32, #tpu.memory_space<vmem>>)
        tpu.yield
      }) : () -> ()
      "tpu.region"() ({
        %run_scoped3A = tpu.sem_alloc : memref<!tpu.dma_semaphore, #tpu.memory_space<semaphore_mem>>
        %dma_start3A = tpu.memref_slice %arg4[%mul3A_4] : memref<8192xi32, #tpu.memory_space<hbm>> -> memref<2048xi32, #tpu.memory_space<hbm>>
        %dma_start3A_16 = tpu.memref_slice %arg4[%mul3A_4] : memref<8192xi32, #tpu.memory_space<hbm>> -> memref<2048xi32, #tpu.memory_space<hbm>>
        tpu.enqueue_dma source(%dma_start3A_16 : memref<2048xi32, #tpu.memory_space<hbm>>) target(%arg10 : memref<2048xi32, #tpu.memory_space<vmem>>) target_semaphore(%run_scoped3A : memref<!tpu.dma_semaphore, #tpu.memory_space<semaphore_mem>>)
        %dma_wait3A = tpu.memref_slice %arg4[%mul3A_4] : memref<8192xi32, #tpu.memory_space<hbm>> -> memref<2048xi32, #tpu.memory_space<hbm>>
        %dma_wait3A_17 = tpu.memref_slice %arg4[%mul3A_4] : memref<8192xi32, #tpu.memory_space<hbm>> -> memref<2048xi32, #tpu.memory_space<hbm>>
        tpu.wait_dma2 semaphore(%run_scoped3A : memref<!tpu.dma_semaphore, #tpu.memory_space<semaphore_mem>>) src(%dma_wait3A_17 : memref<2048xi32, #tpu.memory_space<hbm>>) dst(%arg10 : memref<2048xi32, #tpu.memory_space<vmem>>)
        tpu.yield
      }) : () -> ()
      "tpu.region"() ({
        %run_scoped3A = tpu.sem_alloc : memref<!tpu.dma_semaphore, #tpu.memory_space<semaphore_mem>>
        %dma_start3A = tpu.memref_slice %arg5[%mul3A_4] : memref<8192xf32, #tpu.memory_space<hbm>> -> memref<2048xf32, #tpu.memory_space<hbm>>
        %dma_start3A_16 = tpu.memref_slice %arg5[%mul3A_4] : memref<8192xf32, #tpu.memory_space<hbm>> -> memref<2048xf32, #tpu.memory_space<hbm>>
        tpu.enqueue_dma source(%dma_start3A_16 : memref<2048xf32, #tpu.memory_space<hbm>>) target(%arg11 : memref<2048xf32, #tpu.memory_space<vmem>>) target_semaphore(%run_scoped3A : memref<!tpu.dma_semaphore, #tpu.memory_space<semaphore_mem>>)
        %dma_wait3A = tpu.memref_slice %arg5[%mul3A_4] : memref<8192xf32, #tpu.memory_space<hbm>> -> memref<2048xf32, #tpu.memory_space<hbm>>
        %dma_wait3A_17 = tpu.memref_slice %arg5[%mul3A_4] : memref<8192xf32, #tpu.memory_space<hbm>> -> memref<2048xf32, #tpu.memory_space<hbm>>
        tpu.wait_dma2 semaphore(%run_scoped3A : memref<!tpu.dma_semaphore, #tpu.memory_space<semaphore_mem>>) src(%dma_wait3A_17 : memref<2048xf32, #tpu.memory_space<hbm>>) dst(%arg11 : memref<2048xf32, #tpu.memory_space<vmem>>)
        tpu.yield
      }) : () -> ()
      %scan3A = arith.constant 0 : i32
      %scan3A_5 = arith.constant 0 : i32
      %scan3A_6 = arith.constant 160 : i32
      %scan3A_7 = arith.addi %scan3A_5, %scan3A_6 : i32
      %scan3A_8 = arith.constant 1 : i32
      scf.for %scan3A_16 = %scan3A_5 to %scan3A_7 step %scan3A_8  : i32 {
        %mul3A_17 = arith.constant 16 : i32
        %mul3A_18 = arith.muli %scan3A_16, %mul3A_17 : i32
        %broadcast_in_dim3A = arith.constant 0 : i32
        %broadcast_in_dim3A_19 = vector.broadcast %broadcast_in_dim3A : i32 to vector<16xi32>
        %swap3A = arith.index_cast %mul3A_18 : i32 to index
        %swap3A_20 = tpu.vector_load %arg12[%swap3A] {strides = array<i32>} : memref<2576xi32, #tpu.memory_space<vmem>>, vector<16xi32>,
        tpu.vector_store %arg12[%swap3A], %broadcast_in_dim3A_19 {strides = array<i32>} : memref<2576xi32, #tpu.memory_space<vmem>>, vector<16xi32>,
        %broadcast_in_dim3A_21 = arith.constant 0.000000e+00 : f32
        %broadcast_in_dim3A_22 = vector.broadcast %broadcast_in_dim3A_21 : f32 to vector<16xf32>
        %swap3A_23 = arith.index_cast %mul3A_18 : i32 to index
        %swap3A_24 = tpu.vector_load %arg13[%swap3A_23] {strides = array<i32>} : memref<2576xf32, #tpu.memory_space<vmem>>, vector<16xf32>,
        tpu.vector_store %arg13[%swap3A_23], %broadcast_in_dim3A_22 {strides = array<i32>} : memref<2576xf32, #tpu.memory_space<vmem>>, vector<16xf32>,
      }
      %scan3A_9 = arith.constant 160 : i32
      %iota3A = tpu.iota {dimensions = array<i32: 0>} : vector<16xi32>
      %scan3A_10 = arith.constant 0 : i32
      %scan3A_11 = arith.constant 0 : i32
      %scan3A_12 = arith.constant 128 : i32
      %scan3A_13 = arith.addi %scan3A_11, %scan3A_12 : i32
      %scan3A_14 = arith.constant 1 : i32
      scf.for %scan3A_16 = %scan3A_11 to %scan3A_13 step %scan3A_14  : i32 {
        %mul3A_17 = arith.constant 16 : i32
        %mul3A_18 = arith.muli %scan3A_16, %mul3A_17 : i32
        %mul3A_19 = arith.constant 16 : i32
        %mul3A_20 = arith.muli %scan3A_16, %mul3A_19 : i32
        %add3A_21 = vector.broadcast %mul3A_20 : i32 to vector<16xi32>
        %add3A_22 = arith.addi %iota3A, %add3A_21 : vector<16xi32>
        %get3A = arith.index_cast %mul3A_18 : i32 to index
        %get3A_23 = tpu.vector_load %arg8[%get3A] {strides = array<i32>} : memref<2048xi32, #tpu.memory_space<vmem>>, vector<16xi32>,
        tpu.vector_store_idx %arg12[%get3A_23], %add3A_22 : memref<2576xi32, #tpu.memory_space<vmem>>[vector<16xi32>], vector<16xi32>,
        %get3A_24 = arith.index_cast %mul3A_18 : i32 to index
        %get3A_25 = tpu.vector_load %arg9[%get3A_24] {strides = array<i32>} : memref<2048xf32, #tpu.memory_space<vmem>>, vector<16xf32>,
        tpu.vector_store_idx %arg13[%get3A_23], %get3A_25 : memref<2576xf32, #tpu.memory_space<vmem>>[vector<16xi32>], vector<16xf32>,
        %get3A_26 = arith.index_cast %mul3A_18 : i32 to index
        %get3A_27 = tpu.vector_load %arg10[%get3A_26] {strides = array<i32>} : memref<2048xi32, #tpu.memory_space<vmem>>, vector<16xi32>,
        tpu.vector_store_idx %arg12[%get3A_27], %add3A_22 : memref<2576xi32, #tpu.memory_space<vmem>>[vector<16xi32>], vector<16xi32>,
        %get3A_28 = arith.index_cast %mul3A_18 : i32 to index
        %get3A_29 = tpu.vector_load %arg11[%get3A_28] {strides = array<i32>} : memref<2048xf32, #tpu.memory_space<vmem>>, vector<16xf32>,
        tpu.vector_store_idx %arg13[%get3A_27], %get3A_29 : memref<2576xf32, #tpu.memory_space<vmem>>[vector<16xi32>], vector<16xf32>,
      }
      %scan3A_15 = arith.constant 128 : i32
      "tpu.region"() ({
        %run_scoped3A = tpu.sem_alloc : memref<!tpu.dma_semaphore, #tpu.memory_space<semaphore_mem>>
        %dma_start3A = arith.constant 0 : i32
        %dma_start3A_16 = tpu.memref_slice %arg12[%dma_start3A] : memref<2576xi32, #tpu.memory_space<vmem>> -> memref<2560xi32, #tpu.memory_space<vmem>>
        %dma_start3A_17 = arith.constant 0 : i32
        %dma_start3A_18 = tpu.memref_slice %arg6[%add3A, %dma_start3A_17] : memref<4x2560xi32, #tpu.memory_space<hbm>> -> memref<1x2560xi32, #tpu.memory_space<hbm>>
        %dma_start3A_19 = tpu.memref_squeeze %dma_start3A_18 : memref<1x2560xi32, #tpu.memory_space<hbm>> -> memref<2560xi32, #tpu.memory_space<hbm>>
        %dma_start3A_20 = arith.constant 0 : i32
        %dma_start3A_21 = tpu.memref_slice %arg6[%add3A, %dma_start3A_20] : memref<4x2560xi32, #tpu.memory_space<hbm>> -> memref<1x2560xi32, #tpu.memory_space<hbm>>
        %dma_start3A_22 = tpu.memref_squeeze %dma_start3A_21 : memref<1x2560xi32, #tpu.memory_space<hbm>> -> memref<2560xi32, #tpu.memory_space<hbm>>
        %dma_start3A_23 = arith.constant 0 : i32
        %dma_start3A_24 = tpu.memref_slice %arg12[%dma_start3A_23] : memref<2576xi32, #tpu.memory_space<vmem>> -> memref<2560xi32, #tpu.memory_space<vmem>>
        tpu.enqueue_dma source(%dma_start3A_24 : memref<2560xi32, #tpu.memory_space<vmem>>) target(%dma_start3A_22 : memref<2560xi32, #tpu.memory_space<hbm>>) target_semaphore(%run_scoped3A : memref<!tpu.dma_semaphore, #tpu.memory_space<semaphore_mem>>)
        %dma_wait3A = arith.constant 0 : i32
        %dma_wait3A_25 = tpu.memref_slice %arg12[%dma_wait3A] : memref<2576xi32, #tpu.memory_space<vmem>> -> memref<2560xi32, #tpu.memory_space<vmem>>
        %dma_wait3A_26 = arith.constant 0 : i32
        %dma_wait3A_27 = tpu.memref_slice %arg6[%add3A, %dma_wait3A_26] : memref<4x2560xi32, #tpu.memory_space<hbm>> -> memref<1x2560xi32, #tpu.memory_space<hbm>>
        %dma_wait3A_28 = tpu.memref_squeeze %dma_wait3A_27 : memref<1x2560xi32, #tpu.memory_space<hbm>> -> memref<2560xi32, #tpu.memory_space<hbm>>
        %dma_wait3A_29 = arith.constant 0 : i32
        %dma_wait3A_30 = tpu.memref_slice %arg6[%add3A, %dma_wait3A_29] : memref<4x2560xi32, #tpu.memory_space<hbm>> -> memref<1x2560xi32, #tpu.memory_space<hbm>>
        %dma_wait3A_31 = tpu.memref_squeeze %dma_wait3A_30 : memref<1x2560xi32, #tpu.memory_space<hbm>> -> memref<2560xi32, #tpu.memory_space<hbm>>
        %dma_wait3A_32 = arith.constant 0 : i32
        %dma_wait3A_33 = tpu.memref_slice %arg12[%dma_wait3A_32] : memref<2576xi32, #tpu.memory_space<vmem>> -> memref<2560xi32, #tpu.memory_space<vmem>>
        tpu.wait_dma2 semaphore(%run_scoped3A : memref<!tpu.dma_semaphore, #tpu.memory_space<semaphore_mem>>) src(%dma_wait3A_33 : memref<2560xi32, #tpu.memory_space<vmem>>) dst(%dma_wait3A_31 : memref<2560xi32, #tpu.memory_space<hbm>>)
        tpu.yield
      }) : () -> ()
      "tpu.region"() ({
        %run_scoped3A = tpu.sem_alloc : memref<!tpu.dma_semaphore, #tpu.memory_space<semaphore_mem>>
        %dma_start3A = arith.constant 0 : i32
        %dma_start3A_16 = tpu.memref_slice %arg13[%dma_start3A] : memref<2576xf32, #tpu.memory_space<vmem>> -> memref<2560xf32, #tpu.memory_space<vmem>>
        %dma_start3A_17 = arith.constant 0 : i32
        %dma_start3A_18 = tpu.memref_slice %arg7[%add3A, %dma_start3A_17] : memref<4x2560xf32, #tpu.memory_space<hbm>> -> memref<1x2560xf32, #tpu.memory_space<hbm>>
        %dma_start3A_19 = tpu.memref_squeeze %dma_start3A_18 : memref<1x2560xf32, #tpu.memory_space<hbm>> -> memref<2560xf32, #tpu.memory_space<hbm>>
        %dma_start3A_20 = arith.constant 0 : i32
        %dma_start3A_21 = tpu.memref_slice %arg7[%add3A, %dma_start3A_20] : memref<4x2560xf32, #tpu.memory_space<hbm>> -> memref<1x2560xf32, #tpu.memory_space<hbm>>
        %dma_start3A_22 = tpu.memref_squeeze %dma_start3A_21 : memref<1x2560xf32, #tpu.memory_space<hbm>> -> memref<2560xf32, #tpu.memory_space<hbm>>
        %dma_start3A_23 = arith.constant 0 : i32
        %dma_start3A_24 = tpu.memref_slice %arg13[%dma_start3A_23] : memref<2576xf32, #tpu.memory_space<vmem>> -> memref<2560xf32, #tpu.memory_space<vmem>>
        tpu.enqueue_dma source(%dma_start3A_24 : memref<2560xf32, #tpu.memory_space<vmem>>) target(%dma_start3A_22 : memref<2560xf32, #tpu.memory_space<hbm>>) target_semaphore(%run_scoped3A : memref<!tpu.dma_semaphore, #tpu.memory_space<semaphore_mem>>)
        %dma_wait3A = arith.constant 0 : i32
        %dma_wait3A_25 = tpu.memref_slice %arg13[%dma_wait3A] : memref<2576xf32, #tpu.memory_space<vmem>> -> memref<2560xf32, #tpu.memory_space<vmem>>
        %dma_wait3A_26 = arith.constant 0 : i32
        %dma_wait3A_27 = tpu.memref_slice %arg7[%add3A, %dma_wait3A_26] : memref<4x2560xf32, #tpu.memory_space<hbm>> -> memref<1x2560xf32, #tpu.memory_space<hbm>>
        %dma_wait3A_28 = tpu.memref_squeeze %dma_wait3A_27 : memref<1x2560xf32, #tpu.memory_space<hbm>> -> memref<2560xf32, #tpu.memory_space<hbm>>
        %dma_wait3A_29 = arith.constant 0 : i32
        %dma_wait3A_30 = tpu.memref_slice %arg7[%add3A, %dma_wait3A_29] : memref<4x2560xf32, #tpu.memory_space<hbm>> -> memref<1x2560xf32, #tpu.memory_space<hbm>>
        %dma_wait3A_31 = tpu.memref_squeeze %dma_wait3A_30 : memref<1x2560xf32, #tpu.memory_space<hbm>> -> memref<2560xf32, #tpu.memory_space<hbm>>
        %dma_wait3A_32 = arith.constant 0 : i32
        %dma_wait3A_33 = tpu.memref_slice %arg13[%dma_wait3A_32] : memref<2576xf32, #tpu.memory_space<vmem>> -> memref<2560xf32, #tpu.memory_space<vmem>>
        tpu.wait_dma2 semaphore(%run_scoped3A : memref<!tpu.dma_semaphore, #tpu.memory_space<semaphore_mem>>) src(%dma_wait3A_33 : memref<2560xf32, #tpu.memory_space<vmem>>) dst(%dma_wait3A_31 : memref<2560xf32, #tpu.memory_space<hbm>>)
        tpu.yield
      }) : () -> ()
    } else {
    }
    return
  }
}

module attributes {stable_mosaic.version = 14 : i64} {
  func.func @_expand_body(%arg0: i32, %arg1: i32, %arg2: memref<1x8x320xi32, #tpu.memory_space<vmem>>, %arg3: memref<1x8x320xf32, #tpu.memory_space<vmem>>, %arg4: memref<1x8x320x1024xf32, #tpu.memory_space<vmem>>) attributes {dimension_semantics = [#tpu.dimension_semantics<arbitrary>, #tpu.dimension_semantics<arbitrary>], iteration_bounds = array<i64: 4, 2>, scalar_prefetch = 0 : i64, scratch_operands = 0 : i64, tpu.core_type = #tpu.core_type<tc>, window_params = [{transform_indices = @transform_0, window_bounds = array<i64: 1, 8, 320>}, {transform_indices = @transform_1, window_bounds = array<i64: 1, 8, 320>}, {transform_indices = @transform_2, window_bounds = array<i64: 1, 8, 320, 1024>}]} {
    %mul3A = arith.constant 1024 : i32
    %mul3A_0 = arith.muli %arg1, %mul3A : i32
    %get3A = arith.constant 0 : index
    %get3A_1 = arith.constant 0 : index
    %get3A_2 = arith.constant 0 : index
    %get3A_3 = vector.load %arg2[%get3A, %get3A_1, %get3A_2] : memref<1x8x320xi32, #tpu.memory_space<vmem>>, vector<1x8x320xi32>
    %get3A_4 = vector.shape_cast %get3A_3 : vector<1x8x320xi32> to vector<8x320xi32>
    %sub3A = vector.broadcast %mul3A_0 : i32 to vector<8x320xi32>
    %sub3A_5 = arith.subi %get3A_4, %sub3A : vector<8x320xi32>
    %get3A_6 = arith.constant 0 : index
    %get3A_7 = arith.constant 0 : index
    %get3A_8 = arith.constant 0 : index
    %get3A_9 = vector.load %arg3[%get3A_6, %get3A_7, %get3A_8] : memref<1x8x320xf32, #tpu.memory_space<vmem>>, vector<1x8x320xf32>
    %get3A_10 = vector.shape_cast %get3A_9 : vector<1x8x320xf32> to vector<8x320xf32>
    %iota3A = tpu.iota {dimensions = array<i32: 2>} : vector<8x320x1024xi32>
    %broadcast_in_dim3A = vector.shape_cast %sub3A_5 : vector<8x320xi32> to vector<8x320x1xi32>
    %eq3A = vector.broadcast %broadcast_in_dim3A : vector<8x320x1xi32> to vector<8x320x1024xi32>
    %eq3A_11 = arith.cmpi eq, %iota3A, %eq3A : vector<8x320x1024xi32>
    %broadcast_in_dim3A_12 = vector.shape_cast %get3A_10 : vector<8x320xf32> to vector<8x320x1xf32>
    %jit3A = arith.constant 0.000000e+00 : f32
    %broadcast_in_dim3A_13 = vector.shape_cast %broadcast_in_dim3A_12 : vector<8x320x1xf32> to vector<8x320x1xf32>
    %broadcast_in_dim3A_14 = vector.broadcast %broadcast_in_dim3A_13 : vector<8x320x1xf32> to vector<8x320x1024xf32>
    %broadcast_in_dim3A_15 = vector.broadcast %jit3A : f32 to vector<8x320x1024xf32>
    %select_n3A = arith.select %eq3A_11, %broadcast_in_dim3A_14, %broadcast_in_dim3A_15 : vector<8x320x1024xi1>, vector<8x320x1024xf32>
    %swap3A = arith.constant 0 : index
    %swap3A_16 = arith.constant 0 : index
    %swap3A_17 = arith.constant 0 : index
    %swap3A_18 = arith.constant 0 : index
    %swap3A_19 = vector.load %arg4[%swap3A, %swap3A_16, %swap3A_17, %swap3A_18] : memref<1x8x320x1024xf32, #tpu.memory_space<vmem>>, vector<1x8x320x1024xf32>
    %swap3A_20 = vector.shape_cast %swap3A_19 : vector<1x8x320x1024xf32> to vector<8x320x1024xf32>
    %swap3A_21 = vector.shape_cast %select_n3A : vector<8x320x1024xf32> to vector<1x8x320x1024xf32>
    tpu.vector_store %arg4[%swap3A, %swap3A_16, %swap3A_17, %swap3A_18], %swap3A_21 {strides = array<i32>} : memref<1x8x320x1024xf32, #tpu.memory_space<vmem>>, vector<1x8x320x1024xf32>,
    return
  }
  func.func @transform_0(%arg0: i32, %arg1: i32) -> (i32, i32, i32) {
    %c0_i32 = arith.constant 0 : i32
    %c0_i32_0 = arith.constant 0 : i32
    %c0_i32_1 = arith.constant 0 : i32
    return %arg0, %c0_i32, %c0_i32_0 : i32, i32, i32
  }
  func.func @transform_1(%arg0: i32, %arg1: i32) -> (i32, i32, i32) {
    %c0_i32 = arith.constant 0 : i32
    %c0_i32_0 = arith.constant 0 : i32
    %c0_i32_1 = arith.constant 0 : i32
    return %arg0, %c0_i32, %c0_i32_0 : i32, i32, i32
  }
  func.func @transform_2(%arg0: i32, %arg1: i32) -> (i32, i32, i32, i32) {
    %c0_i32 = arith.constant 0 : i32
    %c0_i32_0 = arith.constant 0 : i32
    %c0_i32_1 = arith.constant 0 : i32
    return %arg0, %c0_i32, %c0_i32_0, %arg1 : i32, i32, i32, i32
  }
}

module attributes {stable_mosaic.version = 14 : i64} {
  func.func @_route_body(%arg0: i32, %arg1: memref<1x2048x1024xf32, #tpu.memory_space<vmem>>, %arg2: memref<1024x8xf32, #tpu.memory_space<vmem>>, %arg3: memref<1x2048x1xi32, #tpu.memory_space<vmem>>, %arg4: memref<1x2048x1xf32, #tpu.memory_space<vmem>>, %arg5: memref<1x2048x1xi32, #tpu.memory_space<vmem>>, %arg6: memref<1x2048x1xf32, #tpu.memory_space<vmem>>) attributes {dimension_semantics = [#tpu.dimension_semantics<arbitrary>], iteration_bounds = array<i64: 4>, scalar_prefetch = 0 : i64, scratch_operands = 0 : i64, tpu.core_type = #tpu.core_type<tc>, window_params = [{transform_indices = @transform_0, window_bounds = array<i64: 1, 2048, 1024>}, {pipeline_mode = #tpu.pipeline_mode<synchronous>, transform_indices = @transform_1, window_bounds = array<i64: 1024, 8>}, {transform_indices = @transform_2, window_bounds = array<i64: 1, 2048, 1>}, {transform_indices = @transform_3, window_bounds = array<i64: 1, 2048, 1>}, {transform_indices = @transform_4, window_bounds = array<i64: 1, 2048, 1>}, {transform_indices = @transform_5, window_bounds = array<i64: 1, 2048, 1>}]} {
    %get3A = arith.constant 0 : index
    %get3A_0 = arith.constant 0 : index
    %get3A_1 = arith.constant 0 : index
    %get3A_2 = vector.load %arg1[%get3A, %get3A_0, %get3A_1] : memref<1x2048x1024xf32, #tpu.memory_space<vmem>>, vector<1x2048x1024xf32>
    %get3A_3 = vector.shape_cast %get3A_2 : vector<1x2048x1024xf32> to vector<2048x1024xf32>
    %get3A_4 = arith.constant 0 : index
    %get3A_5 = arith.constant 0 : index
    %get3A_6 = vector.load %arg2[%get3A_4, %get3A_5] : memref<1024x8xf32, #tpu.memory_space<vmem>>, vector<1024x8xf32>
    %convert_element_type3A = arith.truncf %get3A_3 : vector<2048x1024xf32> to vector<2048x1024xbf16>
    %convert_element_type3A_7 = arith.truncf %get3A_6 : vector<1024x8xf32> to vector<1024x8xbf16>
    %dot_general3A = arith.constant dense<0.000000e+00> : vector<2048x8xf32>
    %dot_general3A_8 = tpu.matmul %convert_element_type3A, %convert_element_type3A_7, %dot_general3A {dimension_numbers = #tpu.dot_dimension_numbers<[1], [0], [0], [1], [0, 0, 1, 1], [], []>, transpose_lhs_hint = false} : vector<2048x1024xbf16>, vector<1024x8xbf16>, vector<2048x8xf32> -> vector<2048x8xf32>
    %reduce_max3A = arith.constant dense<0xFF800000> : vector<2048xf32>
    %reduce_max3A_9 = vector.multi_reduction <maximumf>, %dot_general3A_8, %reduce_max3A [1] : vector<2048x8xf32> to vector<2048xf32>
    %broadcast_in_dim3A = vector.shape_cast %reduce_max3A_9 : vector<2048xf32> to vector<2048x1xf32>
    %sub3A = vector.broadcast %broadcast_in_dim3A : vector<2048x1xf32> to vector<2048x8xf32>
    %sub3A_10 = arith.subf %dot_general3A_8, %sub3A : vector<2048x8xf32>
    %exp3A = math.exp %sub3A_10 : vector<2048x8xf32>
    %reduce_sum3A = arith.constant dense<0.000000e+00> : vector<2048xf32>
    %reduce_sum3A_11 = vector.multi_reduction <add>, %exp3A, %reduce_sum3A [1] : vector<2048x8xf32> to vector<2048xf32>
    %broadcast_in_dim3A_12 = vector.shape_cast %reduce_sum3A_11 : vector<2048xf32> to vector<2048x1xf32>
    %div3A = vector.broadcast %broadcast_in_dim3A_12 : vector<2048x1xf32> to vector<2048x8xf32>
    %div3A_13 = arith.divf %exp3A, %div3A : vector<2048x8xf32>
    %iota3A = tpu.iota {dimensions = array<i32: 1>} : vector<2048x8xi32>
    %reduce_max3A_14 = arith.constant dense<0xFF800000> : vector<2048xf32>
    %reduce_max3A_15 = vector.multi_reduction <maximumf>, %div3A_13, %reduce_max3A_14 [1] : vector<2048x8xf32> to vector<2048xf32>
    %broadcast_in_dim3A_16 = vector.shape_cast %reduce_max3A_15 : vector<2048xf32> to vector<2048x1xf32>
    %eq3A = vector.broadcast %broadcast_in_dim3A_16 : vector<2048x1xf32> to vector<2048x8xf32>
    %eq3A_17 = arith.cmpf oeq, %div3A_13, %eq3A : vector<2048x8xf32>
    %jit3A = arith.constant 8 : i32
    %broadcast_in_dim3A_18 = vector.broadcast %jit3A : i32 to vector<2048x8xi32>
    %select_n3A = arith.select %eq3A_17, %iota3A, %broadcast_in_dim3A_18 : vector<2048x8xi1>, vector<2048x8xi32>
    %reduce_min3A = arith.constant dense<2147483647> : vector<2048xi32>
    %reduce_min3A_19 = vector.multi_reduction <minsi>, %select_n3A, %reduce_min3A [1] : vector<2048x8xi32> to vector<2048xi32>
    %broadcast_in_dim3A_20 = vector.shape_cast %reduce_min3A_19 : vector<2048xi32> to vector<2048x1xi32>
    %eq3A_21 = vector.broadcast %broadcast_in_dim3A_20 : vector<2048x1xi32> to vector<2048x8xi32>
    %eq3A_22 = arith.cmpi eq, %iota3A, %eq3A_21 : vector<2048x8xi32>
    %convert_element_type3A_23 = arith.extui %eq3A_22 : vector<2048x8xi1> to vector<2048x8xi32>
    %convert_element_type3A_24 = arith.sitofp %convert_element_type3A_23 : vector<2048x8xi32> to vector<2048x8xf32>
    %sub3A_25 = arith.constant 1.000000e+00 : f32
    %sub3A_26 = vector.broadcast %sub3A_25 : f32 to vector<2048x8xf32>
    %sub3A_27 = arith.subf %sub3A_26, %convert_element_type3A_24 : vector<2048x8xf32>
    %mul3A = arith.mulf %div3A_13, %sub3A_27 : vector<2048x8xf32>
    %reduce_max3A_28 = arith.constant dense<0xFF800000> : vector<2048xf32>
    %reduce_max3A_29 = vector.multi_reduction <maximumf>, %mul3A, %reduce_max3A_28 [1] : vector<2048x8xf32> to vector<2048xf32>
    %broadcast_in_dim3A_30 = vector.shape_cast %reduce_max3A_29 : vector<2048xf32> to vector<2048x1xf32>
    %eq3A_31 = vector.broadcast %broadcast_in_dim3A_30 : vector<2048x1xf32> to vector<2048x8xf32>
    %eq3A_32 = arith.cmpf oeq, %mul3A, %eq3A_31 : vector<2048x8xf32>
    %jit3A_33 = arith.constant 8 : i32
    %broadcast_in_dim3A_34 = vector.broadcast %jit3A_33 : i32 to vector<2048x8xi32>
    %select_n3A_35 = arith.select %eq3A_32, %iota3A, %broadcast_in_dim3A_34 : vector<2048x8xi1>, vector<2048x8xi32>
    %reduce_min3A_36 = arith.constant dense<2147483647> : vector<2048xi32>
    %reduce_min3A_37 = vector.multi_reduction <minsi>, %select_n3A_35, %reduce_min3A_36 [1] : vector<2048x8xi32> to vector<2048xi32>
    %broadcast_in_dim3A_38 = vector.shape_cast %reduce_min3A_37 : vector<2048xi32> to vector<2048x1xi32>
    %add3A = arith.addf %broadcast_in_dim3A_16, %broadcast_in_dim3A_30 : vector<2048x1xf32>
    %add3A_39 = arith.constant 9.99999971E-10 : f32
    %add3A_40 = vector.broadcast %add3A_39 : f32 to vector<2048x1xf32>
    %add3A_41 = arith.addf %add3A, %add3A_40 : vector<2048x1xf32>
    %div3A_42 = arith.divf %broadcast_in_dim3A_16, %add3A_41 : vector<2048x1xf32>
    %add3A_43 = arith.addf %div3A_42, %broadcast_in_dim3A_30 : vector<2048x1xf32>
    %add3A_44 = arith.constant 9.99999971E-10 : f32
    %add3A_45 = vector.broadcast %add3A_44 : f32 to vector<2048x1xf32>
    %add3A_46 = arith.addf %add3A_43, %add3A_45 : vector<2048x1xf32>
    %div3A_47 = arith.divf %broadcast_in_dim3A_30, %add3A_46 : vector<2048x1xf32>
    %gt3A = arith.constant 2.000000e-01 : f32
    %gt3A_48 = vector.broadcast %gt3A : f32 to vector<2048x1xf32>
    %gt3A_49 = arith.cmpf ogt, %div3A_47, %gt3A_48 : vector<2048x1xf32>
    %convert_element_type3A_50 = arith.extui %gt3A_49 : vector<2048x1xi1> to vector<2048x1xi32>
    %convert_element_type3A_51 = arith.sitofp %convert_element_type3A_50 : vector<2048x1xi32> to vector<2048x1xf32>
    %eq3A_52 = vector.broadcast %broadcast_in_dim3A_38 : vector<2048x1xi32> to vector<2048x8xi32>
    %eq3A_53 = arith.cmpi eq, %iota3A, %eq3A_52 : vector<2048x8xi32>
    %convert_element_type3A_54 = arith.extui %eq3A_53 : vector<2048x8xi1> to vector<2048x8xi32>
    %convert_element_type3A_55 = arith.sitofp %convert_element_type3A_54 : vector<2048x8xi32> to vector<2048x8xf32>
    %mul3A_56 = vector.broadcast %convert_element_type3A_51 : vector<2048x1xf32> to vector<2048x8xf32>
    %mul3A_57 = arith.mulf %convert_element_type3A_55, %mul3A_56 : vector<2048x8xf32>
    %iota3A_58 = tpu.iota {dimensions = array<i32: 0>} : vector<256x256xi32>
    %iota3A_59 = tpu.iota {dimensions = array<i32: 1>} : vector<256x256xi32>
    %lt3A = arith.cmpi slt, %iota3A_59, %iota3A_58 : vector<256x256xi32>
    %convert_element_type3A_60 = arith.extui %lt3A : vector<256x256xi1> to vector<256x256xi32>
    %convert_element_type3A_61 = arith.sitofp %convert_element_type3A_60 : vector<256x256xi32> to vector<256x256xf32>
    %broadcast_in_dim3A_62 = arith.constant 0.000000e+00 : f32
    %broadcast_in_dim3A_63 = vector.broadcast %broadcast_in_dim3A_62 : f32 to vector<1x8xf32>
    %slice3A = vector.extract_strided_slice %convert_element_type3A_24 {offsets = [0, 0], sizes = [256, 8], strides = [1, 1]} : vector<2048x8xf32> to vector<256x8xf32>
    %dot_general3A_64 = arith.constant dense<0.000000e+00> : vector<256x8xf32>
    %dot_general3A_65 = tpu.matmul %convert_element_type3A_61, %slice3A, %dot_general3A_64 {dimension_numbers = #tpu.dot_dimension_numbers<[1], [0], [0], [1], [0, 0, 1, 1], [], []>, transpose_lhs_hint = false} : vector<256x256xf32>, vector<256x8xf32>, vector<256x8xf32> -> vector<256x8xf32>
    %add3A_66 = vector.broadcast %broadcast_in_dim3A_63 : vector<1x8xf32> to vector<256x8xf32>
    %add3A_67 = arith.addf %dot_general3A_65, %add3A_66 : vector<256x8xf32>
    %reduce_sum3A_68 = arith.constant dense<0.000000e+00> : vector<8xf32>
    %reduce_sum3A_69 = vector.multi_reduction <add>, %slice3A, %reduce_sum3A_68 [0] : vector<256x8xf32> to vector<8xf32>
    %broadcast_in_dim3A_70 = vector.shape_cast %reduce_sum3A_69 : vector<8xf32> to vector<1x8xf32>
    %add3A_71 = arith.addf %broadcast_in_dim3A_63, %broadcast_in_dim3A_70 : vector<1x8xf32>
    %slice3A_72 = vector.extract_strided_slice %convert_element_type3A_24 {offsets = [256, 0], sizes = [256, 8], strides = [1, 1]} : vector<2048x8xf32> to vector<256x8xf32>
    %dot_general3A_73 = arith.constant dense<0.000000e+00> : vector<256x8xf32>
    %dot_general3A_74 = tpu.matmul %convert_element_type3A_61, %slice3A_72, %dot_general3A_73 {dimension_numbers = #tpu.dot_dimension_numbers<[1], [0], [0], [1], [0, 0, 1, 1], [], []>, transpose_lhs_hint = false} : vector<256x256xf32>, vector<256x8xf32>, vector<256x8xf32> -> vector<256x8xf32>
    %add3A_75 = vector.broadcast %add3A_71 : vector<1x8xf32> to vector<256x8xf32>
    %add3A_76 = arith.addf %dot_general3A_74, %add3A_75 : vector<256x8xf32>
    %reduce_sum3A_77 = arith.constant dense<0.000000e+00> : vector<8xf32>
    %reduce_sum3A_78 = vector.multi_reduction <add>, %slice3A_72, %reduce_sum3A_77 [0] : vector<256x8xf32> to vector<8xf32>
    %broadcast_in_dim3A_79 = vector.shape_cast %reduce_sum3A_78 : vector<8xf32> to vector<1x8xf32>
    %add3A_80 = arith.addf %add3A_71, %broadcast_in_dim3A_79 : vector<1x8xf32>
    %slice3A_81 = vector.extract_strided_slice %convert_element_type3A_24 {offsets = [512, 0], sizes = [256, 8], strides = [1, 1]} : vector<2048x8xf32> to vector<256x8xf32>
    %dot_general3A_82 = arith.constant dense<0.000000e+00> : vector<256x8xf32>
    %dot_general3A_83 = tpu.matmul %convert_element_type3A_61, %slice3A_81, %dot_general3A_82 {dimension_numbers = #tpu.dot_dimension_numbers<[1], [0], [0], [1], [0, 0, 1, 1], [], []>, transpose_lhs_hint = false} : vector<256x256xf32>, vector<256x8xf32>, vector<256x8xf32> -> vector<256x8xf32>
    %add3A_84 = vector.broadcast %add3A_80 : vector<1x8xf32> to vector<256x8xf32>
    %add3A_85 = arith.addf %dot_general3A_83, %add3A_84 : vector<256x8xf32>
    %reduce_sum3A_86 = arith.constant dense<0.000000e+00> : vector<8xf32>
    %reduce_sum3A_87 = vector.multi_reduction <add>, %slice3A_81, %reduce_sum3A_86 [0] : vector<256x8xf32> to vector<8xf32>
    %broadcast_in_dim3A_88 = vector.shape_cast %reduce_sum3A_87 : vector<8xf32> to vector<1x8xf32>
    %add3A_89 = arith.addf %add3A_80, %broadcast_in_dim3A_88 : vector<1x8xf32>
    %slice3A_90 = vector.extract_strided_slice %convert_element_type3A_24 {offsets = [768, 0], sizes = [256, 8], strides = [1, 1]} : vector<2048x8xf32> to vector<256x8xf32>
    %dot_general3A_91 = arith.constant dense<0.000000e+00> : vector<256x8xf32>
    %dot_general3A_92 = tpu.matmul %convert_element_type3A_61, %slice3A_90, %dot_general3A_91 {dimension_numbers = #tpu.dot_dimension_numbers<[1], [0], [0], [1], [0, 0, 1, 1], [], []>, transpose_lhs_hint = false} : vector<256x256xf32>, vector<256x8xf32>, vector<256x8xf32> -> vector<256x8xf32>
    %add3A_93 = vector.broadcast %add3A_89 : vector<1x8xf32> to vector<256x8xf32>
    %add3A_94 = arith.addf %dot_general3A_92, %add3A_93 : vector<256x8xf32>
    %reduce_sum3A_95 = arith.constant dense<0.000000e+00> : vector<8xf32>
    %reduce_sum3A_96 = vector.multi_reduction <add>, %slice3A_90, %reduce_sum3A_95 [0] : vector<256x8xf32> to vector<8xf32>
    %broadcast_in_dim3A_97 = vector.shape_cast %reduce_sum3A_96 : vector<8xf32> to vector<1x8xf32>
    %add3A_98 = arith.addf %add3A_89, %broadcast_in_dim3A_97 : vector<1x8xf32>
    %slice3A_99 = vector.extract_strided_slice %convert_element_type3A_24 {offsets = [1024, 0], sizes = [256, 8], strides = [1, 1]} : vector<2048x8xf32> to vector<256x8xf32>
    %dot_general3A_100 = arith.constant dense<0.000000e+00> : vector<256x8xf32>
    %dot_general3A_101 = tpu.matmul %convert_element_type3A_61, %slice3A_99, %dot_general3A_100 {dimension_numbers = #tpu.dot_dimension_numbers<[1], [0], [0], [1], [0, 0, 1, 1], [], []>, transpose_lhs_hint = false} : vector<256x256xf32>, vector<256x8xf32>, vector<256x8xf32> -> vector<256x8xf32>
    %add3A_102 = vector.broadcast %add3A_98 : vector<1x8xf32> to vector<256x8xf32>
    %add3A_103 = arith.addf %dot_general3A_101, %add3A_102 : vector<256x8xf32>
    %reduce_sum3A_104 = arith.constant dense<0.000000e+00> : vector<8xf32>
    %reduce_sum3A_105 = vector.multi_reduction <add>, %slice3A_99, %reduce_sum3A_104 [0] : vector<256x8xf32> to vector<8xf32>
    %broadcast_in_dim3A_106 = vector.shape_cast %reduce_sum3A_105 : vector<8xf32> to vector<1x8xf32>
    %add3A_107 = arith.addf %add3A_98, %broadcast_in_dim3A_106 : vector<1x8xf32>
    %slice3A_108 = vector.extract_strided_slice %convert_element_type3A_24 {offsets = [1280, 0], sizes = [256, 8], strides = [1, 1]} : vector<2048x8xf32> to vector<256x8xf32>
    %dot_general3A_109 = arith.constant dense<0.000000e+00> : vector<256x8xf32>
    %dot_general3A_110 = tpu.matmul %convert_element_type3A_61, %slice3A_108, %dot_general3A_109 {dimension_numbers = #tpu.dot_dimension_numbers<[1], [0], [0], [1], [0, 0, 1, 1], [], []>, transpose_lhs_hint = false} : vector<256x256xf32>, vector<256x8xf32>, vector<256x8xf32> -> vector<256x8xf32>
    %add3A_111 = vector.broadcast %add3A_107 : vector<1x8xf32> to vector<256x8xf32>
    %add3A_112 = arith.addf %dot_general3A_110, %add3A_111 : vector<256x8xf32>
    %reduce_sum3A_113 = arith.constant dense<0.000000e+00> : vector<8xf32>
    %reduce_sum3A_114 = vector.multi_reduction <add>, %slice3A_108, %reduce_sum3A_113 [0] : vector<256x8xf32> to vector<8xf32>
    %broadcast_in_dim3A_115 = vector.shape_cast %reduce_sum3A_114 : vector<8xf32> to vector<1x8xf32>
    %add3A_116 = arith.addf %add3A_107, %broadcast_in_dim3A_115 : vector<1x8xf32>
    %slice3A_117 = vector.extract_strided_slice %convert_element_type3A_24 {offsets = [1536, 0], sizes = [256, 8], strides = [1, 1]} : vector<2048x8xf32> to vector<256x8xf32>
    %dot_general3A_118 = arith.constant dense<0.000000e+00> : vector<256x8xf32>
    %dot_general3A_119 = tpu.matmul %convert_element_type3A_61, %slice3A_117, %dot_general3A_118 {dimension_numbers = #tpu.dot_dimension_numbers<[1], [0], [0], [1], [0, 0, 1, 1], [], []>, transpose_lhs_hint = false} : vector<256x256xf32>, vector<256x8xf32>, vector<256x8xf32> -> vector<256x8xf32>
    %add3A_120 = vector.broadcast %add3A_116 : vector<1x8xf32> to vector<256x8xf32>
    %add3A_121 = arith.addf %dot_general3A_119, %add3A_120 : vector<256x8xf32>
    %reduce_sum3A_122 = arith.constant dense<0.000000e+00> : vector<8xf32>
    %reduce_sum3A_123 = vector.multi_reduction <add>, %slice3A_117, %reduce_sum3A_122 [0] : vector<256x8xf32> to vector<8xf32>
    %broadcast_in_dim3A_124 = vector.shape_cast %reduce_sum3A_123 : vector<8xf32> to vector<1x8xf32>
    %add3A_125 = arith.addf %add3A_116, %broadcast_in_dim3A_124 : vector<1x8xf32>
    %slice3A_126 = vector.extract_strided_slice %convert_element_type3A_24 {offsets = [1792, 0], sizes = [256, 8], strides = [1, 1]} : vector<2048x8xf32> to vector<256x8xf32>
    %dot_general3A_127 = arith.constant dense<0.000000e+00> : vector<256x8xf32>
    %dot_general3A_128 = tpu.matmul %convert_element_type3A_61, %slice3A_126, %dot_general3A_127 {dimension_numbers = #tpu.dot_dimension_numbers<[1], [0], [0], [1], [0, 0, 1, 1], [], []>, transpose_lhs_hint = false} : vector<256x256xf32>, vector<256x8xf32>, vector<256x8xf32> -> vector<256x8xf32>
    %add3A_129 = vector.broadcast %add3A_125 : vector<1x8xf32> to vector<256x8xf32>
    %add3A_130 = arith.addf %dot_general3A_128, %add3A_129 : vector<256x8xf32>
    %concatenate3A = tpu.concatenate %add3A_67, %add3A_76, %add3A_85, %add3A_94, %add3A_103, %add3A_112, %add3A_121, %add3A_130 in 0 : vector<256x8xf32>, vector<256x8xf32>, vector<256x8xf32>, vector<256x8xf32>, vector<256x8xf32>, vector<256x8xf32>, vector<256x8xf32>, vector<256x8xf32> -> vector<2048x8xf32>
    %iota3A_131 = tpu.iota {dimensions = array<i32: 0>} : vector<256x256xi32>
    %iota3A_132 = tpu.iota {dimensions = array<i32: 1>} : vector<256x256xi32>
    %lt3A_133 = arith.cmpi slt, %iota3A_132, %iota3A_131 : vector<256x256xi32>
    %convert_element_type3A_134 = arith.extui %lt3A_133 : vector<256x256xi1> to vector<256x256xi32>
    %convert_element_type3A_135 = arith.sitofp %convert_element_type3A_134 : vector<256x256xi32> to vector<256x256xf32>
    %broadcast_in_dim3A_136 = arith.constant 0.000000e+00 : f32
    %broadcast_in_dim3A_137 = vector.broadcast %broadcast_in_dim3A_136 : f32 to vector<1x8xf32>
    %slice3A_138 = vector.extract_strided_slice %mul3A_57 {offsets = [0, 0], sizes = [256, 8], strides = [1, 1]} : vector<2048x8xf32> to vector<256x8xf32>
    %dot_general3A_139 = arith.constant dense<0.000000e+00> : vector<256x8xf32>
    %dot_general3A_140 = tpu.matmul %convert_element_type3A_135, %slice3A_138, %dot_general3A_139 {dimension_numbers = #tpu.dot_dimension_numbers<[1], [0], [0], [1], [0, 0, 1, 1], [], []>, transpose_lhs_hint = false} : vector<256x256xf32>, vector<256x8xf32>, vector<256x8xf32> -> vector<256x8xf32>
    %add3A_141 = vector.broadcast %broadcast_in_dim3A_137 : vector<1x8xf32> to vector<256x8xf32>
    %add3A_142 = arith.addf %dot_general3A_140, %add3A_141 : vector<256x8xf32>
    %reduce_sum3A_143 = arith.constant dense<0.000000e+00> : vector<8xf32>
    %reduce_sum3A_144 = vector.multi_reduction <add>, %slice3A_138, %reduce_sum3A_143 [0] : vector<256x8xf32> to vector<8xf32>
    %broadcast_in_dim3A_145 = vector.shape_cast %reduce_sum3A_144 : vector<8xf32> to vector<1x8xf32>
    %add3A_146 = arith.addf %broadcast_in_dim3A_137, %broadcast_in_dim3A_145 : vector<1x8xf32>
    %slice3A_147 = vector.extract_strided_slice %mul3A_57 {offsets = [256, 0], sizes = [256, 8], strides = [1, 1]} : vector<2048x8xf32> to vector<256x8xf32>
    %dot_general3A_148 = arith.constant dense<0.000000e+00> : vector<256x8xf32>
    %dot_general3A_149 = tpu.matmul %convert_element_type3A_135, %slice3A_147, %dot_general3A_148 {dimension_numbers = #tpu.dot_dimension_numbers<[1], [0], [0], [1], [0, 0, 1, 1], [], []>, transpose_lhs_hint = false} : vector<256x256xf32>, vector<256x8xf32>, vector<256x8xf32> -> vector<256x8xf32>
    %add3A_150 = vector.broadcast %add3A_146 : vector<1x8xf32> to vector<256x8xf32>
    %add3A_151 = arith.addf %dot_general3A_149, %add3A_150 : vector<256x8xf32>
    %reduce_sum3A_152 = arith.constant dense<0.000000e+00> : vector<8xf32>
    %reduce_sum3A_153 = vector.multi_reduction <add>, %slice3A_147, %reduce_sum3A_152 [0] : vector<256x8xf32> to vector<8xf32>
    %broadcast_in_dim3A_154 = vector.shape_cast %reduce_sum3A_153 : vector<8xf32> to vector<1x8xf32>
    %add3A_155 = arith.addf %add3A_146, %broadcast_in_dim3A_154 : vector<1x8xf32>
    %slice3A_156 = vector.extract_strided_slice %mul3A_57 {offsets = [512, 0], sizes = [256, 8], strides = [1, 1]} : vector<2048x8xf32> to vector<256x8xf32>
    %dot_general3A_157 = arith.constant dense<0.000000e+00> : vector<256x8xf32>
    %dot_general3A_158 = tpu.matmul %convert_element_type3A_135, %slice3A_156, %dot_general3A_157 {dimension_numbers = #tpu.dot_dimension_numbers<[1], [0], [0], [1], [0, 0, 1, 1], [], []>, transpose_lhs_hint = false} : vector<256x256xf32>, vector<256x8xf32>, vector<256x8xf32> -> vector<256x8xf32>
    %add3A_159 = vector.broadcast %add3A_155 : vector<1x8xf32> to vector<256x8xf32>
    %add3A_160 = arith.addf %dot_general3A_158, %add3A_159 : vector<256x8xf32>
    %reduce_sum3A_161 = arith.constant dense<0.000000e+00> : vector<8xf32>
    %reduce_sum3A_162 = vector.multi_reduction <add>, %slice3A_156, %reduce_sum3A_161 [0] : vector<256x8xf32> to vector<8xf32>
    %broadcast_in_dim3A_163 = vector.shape_cast %reduce_sum3A_162 : vector<8xf32> to vector<1x8xf32>
    %add3A_164 = arith.addf %add3A_155, %broadcast_in_dim3A_163 : vector<1x8xf32>
    %slice3A_165 = vector.extract_strided_slice %mul3A_57 {offsets = [768, 0], sizes = [256, 8], strides = [1, 1]} : vector<2048x8xf32> to vector<256x8xf32>
    %dot_general3A_166 = arith.constant dense<0.000000e+00> : vector<256x8xf32>
    %dot_general3A_167 = tpu.matmul %convert_element_type3A_135, %slice3A_165, %dot_general3A_166 {dimension_numbers = #tpu.dot_dimension_numbers<[1], [0], [0], [1], [0, 0, 1, 1], [], []>, transpose_lhs_hint = false} : vector<256x256xf32>, vector<256x8xf32>, vector<256x8xf32> -> vector<256x8xf32>
    %add3A_168 = vector.broadcast %add3A_164 : vector<1x8xf32> to vector<256x8xf32>
    %add3A_169 = arith.addf %dot_general3A_167, %add3A_168 : vector<256x8xf32>
    %reduce_sum3A_170 = arith.constant dense<0.000000e+00> : vector<8xf32>
    %reduce_sum3A_171 = vector.multi_reduction <add>, %slice3A_165, %reduce_sum3A_170 [0] : vector<256x8xf32> to vector<8xf32>
    %broadcast_in_dim3A_172 = vector.shape_cast %reduce_sum3A_171 : vector<8xf32> to vector<1x8xf32>
    %add3A_173 = arith.addf %add3A_164, %broadcast_in_dim3A_172 : vector<1x8xf32>
    %slice3A_174 = vector.extract_strided_slice %mul3A_57 {offsets = [1024, 0], sizes = [256, 8], strides = [1, 1]} : vector<2048x8xf32> to vector<256x8xf32>
    %dot_general3A_175 = arith.constant dense<0.000000e+00> : vector<256x8xf32>
    %dot_general3A_176 = tpu.matmul %convert_element_type3A_135, %slice3A_174, %dot_general3A_175 {dimension_numbers = #tpu.dot_dimension_numbers<[1], [0], [0], [1], [0, 0, 1, 1], [], []>, transpose_lhs_hint = false} : vector<256x256xf32>, vector<256x8xf32>, vector<256x8xf32> -> vector<256x8xf32>
    %add3A_177 = vector.broadcast %add3A_173 : vector<1x8xf32> to vector<256x8xf32>
    %add3A_178 = arith.addf %dot_general3A_176, %add3A_177 : vector<256x8xf32>
    %reduce_sum3A_179 = arith.constant dense<0.000000e+00> : vector<8xf32>
    %reduce_sum3A_180 = vector.multi_reduction <add>, %slice3A_174, %reduce_sum3A_179 [0] : vector<256x8xf32> to vector<8xf32>
    %broadcast_in_dim3A_181 = vector.shape_cast %reduce_sum3A_180 : vector<8xf32> to vector<1x8xf32>
    %add3A_182 = arith.addf %add3A_173, %broadcast_in_dim3A_181 : vector<1x8xf32>
    %slice3A_183 = vector.extract_strided_slice %mul3A_57 {offsets = [1280, 0], sizes = [256, 8], strides = [1, 1]} : vector<2048x8xf32> to vector<256x8xf32>
    %dot_general3A_184 = arith.constant dense<0.000000e+00> : vector<256x8xf32>
    %dot_general3A_185 = tpu.matmul %convert_element_type3A_135, %slice3A_183, %dot_general3A_184 {dimension_numbers = #tpu.dot_dimension_numbers<[1], [0], [0], [1], [0, 0, 1, 1], [], []>, transpose_lhs_hint = false} : vector<256x256xf32>, vector<256x8xf32>, vector<256x8xf32> -> vector<256x8xf32>
    %add3A_186 = vector.broadcast %add3A_182 : vector<1x8xf32> to vector<256x8xf32>
    %add3A_187 = arith.addf %dot_general3A_185, %add3A_186 : vector<256x8xf32>
    %reduce_sum3A_188 = arith.constant dense<0.000000e+00> : vector<8xf32>
    %reduce_sum3A_189 = vector.multi_reduction <add>, %slice3A_183, %reduce_sum3A_188 [0] : vector<256x8xf32> to vector<8xf32>
    %broadcast_in_dim3A_190 = vector.shape_cast %reduce_sum3A_189 : vector<8xf32> to vector<1x8xf32>
    %add3A_191 = arith.addf %add3A_182, %broadcast_in_dim3A_190 : vector<1x8xf32>
    %slice3A_192 = vector.extract_strided_slice %mul3A_57 {offsets = [1536, 0], sizes = [256, 8], strides = [1, 1]} : vector<2048x8xf32> to vector<256x8xf32>
    %dot_general3A_193 = arith.constant dense<0.000000e+00> : vector<256x8xf32>
    %dot_general3A_194 = tpu.matmul %convert_element_type3A_135, %slice3A_192, %dot_general3A_193 {dimension_numbers = #tpu.dot_dimension_numbers<[1], [0], [0], [1], [0, 0, 1, 1], [], []>, transpose_lhs_hint = false} : vector<256x256xf32>, vector<256x8xf32>, vector<256x8xf32> -> vector<256x8xf32>
    %add3A_195 = vector.broadcast %add3A_191 : vector<1x8xf32> to vector<256x8xf32>
    %add3A_196 = arith.addf %dot_general3A_194, %add3A_195 : vector<256x8xf32>
    %reduce_sum3A_197 = arith.constant dense<0.000000e+00> : vector<8xf32>
    %reduce_sum3A_198 = vector.multi_reduction <add>, %slice3A_192, %reduce_sum3A_197 [0] : vector<256x8xf32> to vector<8xf32>
    %broadcast_in_dim3A_199 = vector.shape_cast %reduce_sum3A_198 : vector<8xf32> to vector<1x8xf32>
    %add3A_200 = arith.addf %add3A_191, %broadcast_in_dim3A_199 : vector<1x8xf32>
    %slice3A_201 = vector.extract_strided_slice %mul3A_57 {offsets = [1792, 0], sizes = [256, 8], strides = [1, 1]} : vector<2048x8xf32> to vector<256x8xf32>
    %dot_general3A_202 = arith.constant dense<0.000000e+00> : vector<256x8xf32>
    %dot_general3A_203 = tpu.matmul %convert_element_type3A_135, %slice3A_201, %dot_general3A_202 {dimension_numbers = #tpu.dot_dimension_numbers<[1], [0], [0], [1], [0, 0, 1, 1], [], []>, transpose_lhs_hint = false} : vector<256x256xf32>, vector<256x8xf32>, vector<256x8xf32> -> vector<256x8xf32>
    %add3A_204 = vector.broadcast %add3A_200 : vector<1x8xf32> to vector<256x8xf32>
    %add3A_205 = arith.addf %dot_general3A_203, %add3A_204 : vector<256x8xf32>
    %concatenate3A_206 = tpu.concatenate %add3A_142, %add3A_151, %add3A_160, %add3A_169, %add3A_178, %add3A_187, %add3A_196, %add3A_205 in 0 : vector<256x8xf32>, vector<256x8xf32>, vector<256x8xf32>, vector<256x8xf32>, vector<256x8xf32>, vector<256x8xf32>, vector<256x8xf32>, vector<256x8xf32> -> vector<2048x8xf32>
    %mul3A_207 = arith.mulf %concatenate3A, %convert_element_type3A_24 : vector<2048x8xf32>
    %reduce_sum3A_208 = arith.constant dense<0.000000e+00> : vector<2048xf32>
    %reduce_sum3A_209 = vector.multi_reduction <add>, %mul3A_207, %reduce_sum3A_208 [1] : vector<2048x8xf32> to vector<2048xf32>
    %broadcast_in_dim3A_210 = vector.shape_cast %reduce_sum3A_209 : vector<2048xf32> to vector<2048x1xf32>
    %reduce_sum3A_211 = arith.constant dense<0.000000e+00> : vector<8xf32>
    %reduce_sum3A_212 = vector.multi_reduction <add>, %convert_element_type3A_24, %reduce_sum3A_211 [0] : vector<2048x8xf32> to vector<8xf32>
    %broadcast_in_dim3A_213 = vector.shape_cast %reduce_sum3A_212 : vector<8xf32> to vector<1x8xf32>
    %min3A = arith.constant 3.200000e+02 : f32
    %min3A_214 = vector.broadcast %min3A : f32 to vector<1x8xf32>
    %min3A_215 = arith.minimumf %broadcast_in_dim3A_213, %min3A_214 : vector<1x8xf32>
    %add3A_216 = vector.broadcast %min3A_215 : vector<1x8xf32> to vector<2048x8xf32>
    %add3A_217 = arith.addf %concatenate3A_206, %add3A_216 : vector<2048x8xf32>
    %mul3A_218 = arith.mulf %add3A_217, %mul3A_57 : vector<2048x8xf32>
    %reduce_sum3A_219 = arith.constant dense<0.000000e+00> : vector<2048xf32>
    %reduce_sum3A_220 = vector.multi_reduction <add>, %mul3A_218, %reduce_sum3A_219 [1] : vector<2048x8xf32> to vector<2048xf32>
    %broadcast_in_dim3A_221 = vector.shape_cast %reduce_sum3A_220 : vector<2048xf32> to vector<2048x1xf32>
    %lt3A_222 = arith.constant 3.200000e+02 : f32
    %lt3A_223 = vector.broadcast %lt3A_222 : f32 to vector<2048x1xf32>
    %lt3A_224 = arith.cmpf olt, %broadcast_in_dim3A_210, %lt3A_223 : vector<2048x1xf32>
    %convert_element_type3A_225 = arith.extui %lt3A_224 : vector<2048x1xi1> to vector<2048x1xi32>
    %convert_element_type3A_226 = arith.sitofp %convert_element_type3A_225 : vector<2048x1xi32> to vector<2048x1xf32>
    %lt3A_227 = arith.constant 3.200000e+02 : f32
    %lt3A_228 = vector.broadcast %lt3A_227 : f32 to vector<2048x1xf32>
    %lt3A_229 = arith.cmpf olt, %broadcast_in_dim3A_221, %lt3A_228 : vector<2048x1xf32>
    %convert_element_type3A_230 = arith.extui %lt3A_229 : vector<2048x1xi1> to vector<2048x1xi32>
    %convert_element_type3A_231 = arith.sitofp %convert_element_type3A_230 : vector<2048x1xi32> to vector<2048x1xf32>
    %mul3A_232 = arith.mulf %convert_element_type3A_51, %convert_element_type3A_231 : vector<2048x1xf32>
    %iota3A_233 = tpu.iota {dimensions = array<i32: 0>} : vector<2048x1xi32>
    %and3A = arith.constant 15 : i32
    %and3A_234 = vector.broadcast %and3A : i32 to vector<2048x1xi32>
    %and3A_235 = arith.andi %iota3A_233, %and3A_234 : vector<2048x1xi32>
    %add3A_236 = arith.constant 2560 : i32
    %add3A_237 = vector.broadcast %add3A_236 : i32 to vector<2048x1xi32>
    %add3A_238 = arith.addi %add3A_237, %and3A_235 : vector<2048x1xi32>
    %mul3A_239 = arith.constant 320 : i32
    %mul3A_240 = vector.broadcast %mul3A_239 : i32 to vector<2048x1xi32>
    %mul3A_241 = arith.muli %broadcast_in_dim3A_20, %mul3A_240 : vector<2048x1xi32>
    %min3A_242 = arith.constant 3.190000e+02 : f32
    %min3A_243 = vector.broadcast %min3A_242 : f32 to vector<2048x1xf32>
    %min3A_244 = arith.minimumf %broadcast_in_dim3A_210, %min3A_243 : vector<2048x1xf32>
    %convert_element_type3A_245 = arith.fptosi %min3A_244 : vector<2048x1xf32> to vector<2048x1xi32>
    %add3A_246 = arith.addi %mul3A_241, %convert_element_type3A_245 : vector<2048x1xi32>
    %mul3A_247 = arith.constant 320 : i32
    %mul3A_248 = vector.broadcast %mul3A_247 : i32 to vector<2048x1xi32>
    %mul3A_249 = arith.muli %broadcast_in_dim3A_38, %mul3A_248 : vector<2048x1xi32>
    %min3A_250 = arith.constant 3.190000e+02 : f32
    %min3A_251 = vector.broadcast %min3A_250 : f32 to vector<2048x1xf32>
    %min3A_252 = arith.minimumf %broadcast_in_dim3A_221, %min3A_251 : vector<2048x1xf32>
    %convert_element_type3A_253 = arith.fptosi %min3A_252 : vector<2048x1xf32> to vector<2048x1xi32>
    %add3A_254 = arith.addi %mul3A_249, %convert_element_type3A_253 : vector<2048x1xi32>
    %gt3A_255 = arith.constant 0.000000e+00 : f32
    %gt3A_256 = vector.broadcast %gt3A_255 : f32 to vector<2048x1xf32>
    %gt3A_257 = arith.cmpf ogt, %convert_element_type3A_226, %gt3A_256 : vector<2048x1xf32>
    %select_n3A_258 = arith.select %gt3A_257, %add3A_246, %add3A_238 : vector<2048x1xi1>, vector<2048x1xi32>
    %swap3A = arith.constant 0 : index
    %swap3A_259 = arith.constant 0 : index
    %swap3A_260 = arith.constant 0 : index
    %swap3A_261 = vector.load %arg3[%swap3A, %swap3A_259, %swap3A_260] : memref<1x2048x1xi32, #tpu.memory_space<vmem>>, vector<1x2048x1xi32>
    %swap3A_262 = vector.shape_cast %swap3A_261 : vector<1x2048x1xi32> to vector<2048x1xi32>
    %swap3A_263 = vector.shape_cast %select_n3A_258 : vector<2048x1xi32> to vector<1x2048x1xi32>
    tpu.vector_store %arg3[%swap3A, %swap3A_259, %swap3A_260], %swap3A_263 {strides = array<i32>} : memref<1x2048x1xi32, #tpu.memory_space<vmem>>, vector<1x2048x1xi32>,
    %gt3A_264 = arith.constant 0.000000e+00 : f32
    %gt3A_265 = vector.broadcast %gt3A_264 : f32 to vector<2048x1xf32>
    %gt3A_266 = arith.cmpf ogt, %mul3A_232, %gt3A_265 : vector<2048x1xf32>
    %select_n3A_267 = arith.select %gt3A_266, %add3A_254, %add3A_238 : vector<2048x1xi1>, vector<2048x1xi32>
    %swap3A_268 = arith.constant 0 : index
    %swap3A_269 = arith.constant 0 : index
    %swap3A_270 = arith.constant 0 : index
    %swap3A_271 = vector.load %arg5[%swap3A_268, %swap3A_269, %swap3A_270] : memref<1x2048x1xi32, #tpu.memory_space<vmem>>, vector<1x2048x1xi32>
    %swap3A_272 = vector.shape_cast %swap3A_271 : vector<1x2048x1xi32> to vector<2048x1xi32>
    %swap3A_273 = vector.shape_cast %select_n3A_267 : vector<2048x1xi32> to vector<1x2048x1xi32>
    tpu.vector_store %arg5[%swap3A_268, %swap3A_269, %swap3A_270], %swap3A_273 {strides = array<i32>} : memref<1x2048x1xi32, #tpu.memory_space<vmem>>, vector<1x2048x1xi32>,
    %mul3A_274 = arith.mulf %div3A_42, %convert_element_type3A_226 : vector<2048x1xf32>
    %swap3A_275 = arith.constant 0 : index
    %swap3A_276 = arith.constant 0 : index
    %swap3A_277 = arith.constant 0 : index
    %swap3A_278 = vector.load %arg4[%swap3A_275, %swap3A_276, %swap3A_277] : memref<1x2048x1xf32, #tpu.memory_space<vmem>>, vector<1x2048x1xf32>
    %swap3A_279 = vector.shape_cast %swap3A_278 : vector<1x2048x1xf32> to vector<2048x1xf32>
    %swap3A_280 = vector.shape_cast %mul3A_274 : vector<2048x1xf32> to vector<1x2048x1xf32>
    tpu.vector_store %arg4[%swap3A_275, %swap3A_276, %swap3A_277], %swap3A_280 {strides = array<i32>} : memref<1x2048x1xf32, #tpu.memory_space<vmem>>, vector<1x2048x1xf32>,
    %mul3A_281 = arith.mulf %div3A_47, %mul3A_232 : vector<2048x1xf32>
    %swap3A_282 = arith.constant 0 : index
    %swap3A_283 = arith.constant 0 : index
    %swap3A_284 = arith.constant 0 : index
    %swap3A_285 = vector.load %arg6[%swap3A_282, %swap3A_283, %swap3A_284] : memref<1x2048x1xf32, #tpu.memory_space<vmem>>, vector<1x2048x1xf32>
    %swap3A_286 = vector.shape_cast %swap3A_285 : vector<1x2048x1xf32> to vector<2048x1xf32>
    %swap3A_287 = vector.shape_cast %mul3A_281 : vector<2048x1xf32> to vector<1x2048x1xf32>
    tpu.vector_store %arg6[%swap3A_282, %swap3A_283, %swap3A_284], %swap3A_287 {strides = array<i32>} : memref<1x2048x1xf32, #tpu.memory_space<vmem>>, vector<1x2048x1xf32>,
    return
  }
  func.func @transform_0(%arg0: i32) -> (i32, i32, i32) {
    %c0_i32 = arith.constant 0 : i32
    %c0_i32_0 = arith.constant 0 : i32
    %c0_i32_1 = arith.constant 0 : i32
    return %arg0, %c0_i32, %c0_i32_0 : i32, i32, i32
  }
  func.func @transform_1(%arg0: i32) -> (i32, i32) {
    %c0_i32 = arith.constant 0 : i32
    %c0_i32_0 = arith.constant 0 : i32
    %c0_i32_1 = arith.constant 0 : i32
    return %c0_i32, %c0_i32_0 : i32, i32
  }
  func.func @transform_2(%arg0: i32) -> (i32, i32, i32) {
    %c0_i32 = arith.constant 0 : i32
    %c0_i32_0 = arith.constant 0 : i32
    %c0_i32_1 = arith.constant 0 : i32
    return %arg0, %c0_i32, %c0_i32_0 : i32, i32, i32
  }
  func.func @transform_3(%arg0: i32) -> (i32, i32, i32) {
    %c0_i32 = arith.constant 0 : i32
    %c0_i32_0 = arith.constant 0 : i32
    %c0_i32_1 = arith.constant 0 : i32
    return %arg0, %c0_i32, %c0_i32_0 : i32, i32, i32
  }
  func.func @transform_4(%arg0: i32) -> (i32, i32, i32) {
    %c0_i32 = arith.constant 0 : i32
    %c0_i32_0 = arith.constant 0 : i32
    %c0_i32_1 = arith.constant 0 : i32
    return %arg0, %c0_i32, %c0_i32_0 : i32, i32, i32
  }
  func.func @transform_5(%arg0: i32) -> (i32, i32, i32) {
    %c0_i32 = arith.constant 0 : i32
    %c0_i32_0 = arith.constant 0 : i32
    %c0_i32_1 = arith.constant 0 : i32
    return %arg0, %c0_i32, %c0_i32_0 : i32, i32, i32
  }
}

</mosaic_0001>

<sc_bundles>
// kernel: kernel.5.cloned.1.call-start
scs
__scs_entry_jumppad:
0x0: {  	(pc) =	sbr.rel $0x88, $3  }
0x1: {  	(tag) =	ssettag $0x0;
	lr =	simm.s32 $0x1  }
0x2: {  	[smem:$0x3F9F] =	sst lr;
	_ =	strace $0xD0000000  }
0x3: {  	_ = 	snop  }
0x4: {  	_ = 	snop  }
0x5: {  	_ = 	snop  }
0x6: {  	_ = 	snop  }
0x7: {  	_ = 	snop  }
__scs_overlays_trampoline_lowered:
0x8: {  	[smem:$0x3FAE] =	sst s0  }
0x9: {  	[smem:$0x3FAF] =	sst s1  }
0xa: {  	[smem:$0x3FB0] =	sst s2  }
0xb: {  	[smem:$0x3FB1] =	sst s3  }
0xc: {  	[smem:$0x3FB2] =	sst s4  }
0xd: {  	[smem:$0x3FB3] =	sst s5  }
0xe: {  	[smem:$0x3FB4] =	sst s6  }
0xf: {  	[smem:$0x3FB5] =	sst s7  }
0x10: {  	[smem:$0x3FB6] =	sst s8  }
0x11: {  	[smem:$0x3FB7] =	sst s9;
	s0 =	simm.s32 @!p0 $0x0  }
0x12: {  	s1 =	sld [smem:$0x3F9D];
	s0 =	simm.s32 @p0 $0x1  }
0x13: {  	[smem:$0x3FB8] =	sst s0;
	s0 =	simm.s32 @!p1 $0x0  }
0x14: {  	s2 =	sld [smem:$0x3F9C];
	s0 =	simm.s32 @p1 $0x1  }
0x15: {  	[smem:$0x3FB9] =	sst s0;
	s0 =	simm.s32 @!p2 $0x0  }
0x16: {  	s3 =	sld [smem:$0x3FDB];
	s0 =	simm.s32 @p2 $0x1  }
0x17: {  	s4 =	simm.s32 $0x1BF5;
	[smem:$0x3FBB] =	sst s0  }
0x18: {  	s0 =	sld [smem:$0x3F9E];
	_ =	swait.ge [sflag:s4], $0x0  }
0x19: {  	s7 =	sld [smem:$0x3F9F]  }
0x1a: {  	s8 =	sadd.s32 $0xFFFFE003, lr  }
0x1b: {  	s9 =	sadd.s32 $0xFFFFFEF7, lr;
	s5 =	simm.s32 $0xFFFFFFFF;
	p2 =	slt.u32 s8, $0xFFFFF086  }
0x1c: {  	p1 =	slt.u32 s9, $0xF7A;
	s5 =	simm.s32 @!p2 $0x0  }
0x1d: {  	s5 =	simm.s32 @p1 $0x1;
	p0 =	seq.s32 s7, s2  }
0x1e: {  	s7 =	smul.u32 @!p0 $0xF7A, s2;
	p2 =	seq.s32 @!p0 s5, $0x0  }
0x1f: {  	s9 =	smul.u32 $0xF7A, s1;
	s8 =	simm.s32 @!p0 $0x1BF5;
	p2 =	por !p2, p0  }
0x20: {  	[sflag:s8] =	ssyncset.s32 @!p0 $0xFFFFF086;
	s6 =	sadd.s32 @!p0 s3, s7;
	s7 =	simm.s32 @!p0 $0x108  }
0x21: {  	s3 =	sadd.s32 s3, s9;
	s6 =	sadd.s32 @!p0 $0x88, s6;
	s7 =	simm.s32 @p2 $0x1082  }
0x22: {  	[simem:s7], [sflag:s8] =	dma.local @!p0 [hbm:s6], $0xF7A  }
0x23: {  	s9 =	sor.u32 $0xD0000000, s2;
	s6 =	simm.s32 $0x108;
	_ =	swait.ge @!p0 [sflag:s8], $0x0  }
0x24: {  	s3 =	sadd.s32 $0x88, s3;
	s6 =	simm.s32 @!p1 $0x1082;
	[sflag:s4] =	ssyncset.s32 $0xFFFFF086  }
0x25: {  	[simem:s6], [sflag:s4] =	dma.local [hbm:s3], $0xF7A  }
0x26: {  	[smem:$0x3F9F] =	sst s1;
	(tag) =	ssettag s2;
	_ =	strace s9  }
0x27: {  	s1 =	sld [smem:$0x3FAF]  }
0x28: {  	s2 =	sld [smem:$0x3FB0]  }
0x29: {  	s4 =	sld [smem:$0x3FB2]  }
0x2a: {  	p0 =	seq.s32 s5, $0x0;
	s5 =	sld [smem:$0x3FB3]  }
0x2b: {  	s6 =	sld [smem:$0x3FB4]  }
0x2c: {  	s7 =	sld [smem:$0x3FB5]  }
0x2d: {  	s3 =	simm.s32 $0x108;
	s8 =	sld [smem:$0x3FB6]  }
0x2e: {  	s3 =	simm.s32 @!p0 $0x1082;
	s9 =	sld [smem:$0x3FB7]  }
0x2f: {  	lr =	sadd.s32 s0, s3;
	s0 =	sld [smem:$0x3FAE]  }
0x30: {  	s3 =	sld [smem:$0x3FB1]  }
0x31: {  	[smem:$0x3FBA] =	sst s10  }
0x32: {  	s10 =	sld [smem:$0x3FB8];
	_ =	sdelay $0x3  }
0x33: {  	p0 =	seq.s32 s10, $0x1;
	s10 =	sld [smem:$0x3FBA];
	_ =	sdelay $0x3  }
0x34: {  	[smem:$0x3FBA] =	sst s10  }
0x35: {  	s10 =	sld [smem:$0x3FB9];
	_ =	sdelay $0x3  }
0x36: {  	p1 =	seq.s32 s10, $0x1;
	s10 =	sld [smem:$0x3FBA];
	_ =	sdelay $0x3  }
0x37: {  	[smem:$0x3FBA] =	sst s10  }
0x38: {  	s10 =	sld [smem:$0x3FBB]  }
0x39: {  	_ = 	snop;
	(pc) =	sbr.ind lr, $3  }
0x3a: {  	_ = 	snop  }
0x3b: {  	_ = 	snop  }
0x3c: {  	p2 =	seq.s32 s10, $0x1;
	s10 =	sld [smem:$0x3FBA]  }
0x3d: {  	_ =	shalt  }
0x3e: {  	_ =	shalt  }
0x3f: {  	_ =	shalt  }
0x40: {  	_ =	shalt  }
0x41: {  	_ =	shalt  }
0x42: {  	_ =	shalt  }
0x43: {  	_ =	shalt  }
0x44: {  	_ =	shalt  }
0x45: {  	_ =	shalt  }
0x46: {  	_ =	shalt  }
0x47: {  	_ =	shalt  }
0x48: {  	_ =	shalt  }
0x49: {  	_ =	shalt  }
0x4a: {  	_ =	shalt  }
0x4b: {  	_ =	shalt  }
0x4c: {  	_ =	shalt  }
0x4d: {  	_ =	shalt  }
0x4e: {  	_ =	shalt  }
0x4f: {  	_ =	shalt  }
0x50: {  	_ =	shalt  }
0x51: {  	_ =	shalt  }
0x52: {  	_ =	shalt  }
0x53: {  	_ =	shalt  }
0x54: {  	_ =	shalt  }
0x55: {  	_ =	shalt  }
0x56: {  	_ =	shalt  }
0x57: {  	_ =	shalt  }
0x58: {  	_ =	shalt  }
0x59: {  	_ =	shalt  }
0x5a: {  	_ =	shalt  }
0x5b: {  	_ =	shalt  }
0x5c: {  	_ =	shalt  }
0x5d: {  	_ =	shalt  }
0x5e: {  	_ =	shalt  }
0x5f: {  	_ =	shalt  }
0x60: {  	_ =	shalt  }
0x61: {  	_ =	shalt  }
0x62: {  	_ =	shalt  }
0x63: {  	_ =	shalt  }
0x64: {  	_ =	shalt  }
0x65: {  	_ =	shalt  }
0x66: {  	_ =	shalt  }
0x67: {  	_ =	shalt  }
0x68: {  	_ =	shalt  }
0x69: {  	_ =	shalt  }
0x6a: {  	_ =	shalt  }
0x6b: {  	_ =	shalt  }
0x6c: {  	_ =	shalt  }
0x6d: {  	_ =	shalt  }
0x6e: {  	_ =	shalt  }
0x6f: {  	_ =	shalt  }
0x70: {  	_ =	shalt  }
0x71: {  	_ =	shalt  }
0x72: {  	_ =	shalt  }
0x73: {  	_ =	shalt  }
0x74: {  	_ =	shalt  }
0x75: {  	_ =	shalt  }
0x76: {  	_ =	shalt  }
0x77: {  	_ =	shalt  }
0x78: {  	_ =	shalt  }
0x79: {  	_ =	shalt  }
0x7a: {  	_ =	shalt  }
0x7b: {  	_ =	shalt  }
0x7c: {  	_ =	shalt  }
0x7d: {  	_ =	shalt  }
0x7e: {  	_ =	shalt  }
0x7f: {  	_ =	shalt  }
0x80: {  	_ =	shalt  }
0x81: {  	_ =	shalt  }
0x82: {  	_ =	shalt  }
0x83: {  	_ =	shalt  }
0x84: {  	_ =	shalt  }
0x85: {  	_ =	shalt  }
0x86: {  	_ =	shalt  }
0x87: {  	_ =	shalt  }
.Lfunc_end0:
.L_simem_size_0:
called_computation_lowered:
.L_overlay_start_0:
0x88: {  	s2 =	sld [smem:$0x3FD9]  }
0x89: {  	s3 =	sld [smem:$0x3FFE];
	_ =	sdelay $0x1  }
0x8a: {  	s1 =	srdreg.scid  }
0x8b: {  	s0 =	sand.u32 $0x1, s1  }
0x8c: {  	s17 =	sshll.u32 s0, $0xA;
	s2 =	sadd.s32 s3, s2  }
0x8d: {  	s2 =	sadd.s32 s2, s17  }
0x8e: {  	[smem:$0x3FC6] =	sst s2  }
0x8f: {  	_ = 	snop  }
0x90: {  	s2 =	sld [smem:$0x3FD0];
	(tm) =	ssettm $0x1  }
0x91: {  	s18 =	sld [smem:$0x3FFB];
	_ =	sdelay $0x3  }
0x92: {  	_ =	strace s18  }
0x93: {  	s3 =	sld [smem:$0x3FFC];
	_ =	sdelay $0x3  }
0x94: {  	_ =	strace s3  }
0x95: {  	s3 =	sld [smem:$0x3FFD];
	_ =	sdelay $0x3  }
0x96: {  	_ =	strace s3  }
0x97: {  	_ =	strace $0x8FFFFFFF  }
0x98: {  	s19 =	sld [smem:$0x3FDB];
	_ =	sdelay $0x1  }
0x99: {  	s4 =	simm.s32 $_scs_section_size  }
0x9a: {  	s5 =	simm.s32 $_size__tile_overlayer_lowered;
	s6 =	simm.s32 $_tile_overlayer_lowered  }
0x9b: {  	s22 =	simm.s32 $0x1BFF;
	s21 =	sshll.u32 s6, $0x1;
	s3 =	sadd.s32 s4, s19  }
0x9c: {  	s7 =	simm.s32 $0x0;
	s20 =	sshll.u32 s5, $0x1;
	s5 =	sadd.s32 s21, s3  }
0x9d: {  	[timem:s7], [sflag:s22] =	dma.local [hbm:s5], s20  }
0x9e: {  	_ =	swait.ge [sflag:s22], s20  }
0x9f: {  	s4 =	ssub.s32 $0x0, s20;
	[sflag:s22] =	ssyncset.done $0x0  }
0xa0: {  	[sflag:s22] =	ssyncadd.s32 s4;
	_ =	sdelay $0x1  }
0xa1: {  	s23 =	simm.s32 $0x1B8B  }
0xa2: {  	_ =	swait.ge [sflag:s23], $0x1  }
0xa3: {  	[sflag:s23] =	ssyncset.done $0x0  }
0xa4: {  	s25 =	simm.s32 $0x1B8E;
	s24 =	sld [smem:$0x3FFE];
	[sflag:s23] =	ssyncadd.s32 $0xFFFFFFFF  }
0xa5: {  	s26 =	simm.s32 $execute0_lowered;
	[smem:$0x3FD2] =	sst s25  }
0xa6: {  	s5 =	sshll.u32 s26, $0x1;
	_ =	strace $0x80000046;
	[dreg:$0x1] =	wrdreg $0xFFFFFFFF  }
0xa7: {  	s28 =	simm.s32 $_size_execute0_lowered;
	s3 =	sadd.s32 s3, s5;
	[dreg:$0x0] =	wrdreg $0x0  }
0xa8: {  	s5 =	sshll.u32 s28, $0x1;
	[dreg:$0x2] =	wrdreg s3  }
0xa9: {  	[dreg:$0x3] =	wrdreg s5  }
0xaa: {  	[dreg:$0x4] =	wrdreg $0xC0  }
0xab: {  	_ =	task [dreg:s7], $0x5FFFF  }
0xac: {  	[dreg:$0x1] =	wrdreg $0xFFFFFFFF  }
0xad: {  	[dreg:$0x0] =	wrdreg $0x60  }
0xae: {  	[dreg:$0x2] =	wrdreg s24  }
0xaf: {  	[dreg:$0x3] =	wrdreg s2  }
0xb0: {  	[dreg:$0x4] =	wrdreg $0x9  }
0xb1: {  	_ =	task.clear_ibuf [dreg:s7], $0x5FFFF;
	_ =	strace $0x90000046  }
0xb2: {  	s29 =	simm.s32 $0x9;
	_ =	strace $0x80000048  }
0xb3: {  	_ =	swait.ge [sflag:s29], $0x1  }
0xb4: {  	[sflag:s29] =	ssyncadd.s32 $0xFFFFFFFF  }
0xb5: {  	_ =	strace $0x90000048  }
0xb6: {  	_ =	sfence  }
0xb7: {  	s30 =	sld [smem:$0x0];
	_ =	sdelay $0x2  }
0xb8: {  	s31 =	sshll.u32 s1, $0xD;
	s1 =	sshrl.u32 s1, $0x2  }
0xb9: {  	s3 =	sand.u32 $0x4000, s31;
	s1 =	sadd.s32 s1, s30  }
0xba: {  	s0 =	sor.u32 s3, s0;
	s1 =	sshll.u32 s1, $0x11  }
0xbb: {  	s0 =	sor.u32 s1, s0  }
0xbc: {  	s0 =	sadd.s32 $0x8F2B, s0  }
0xbd: {  	[sflag:s0] =	ssyncadd.remote.s32 $0x1  }
0xbe: {  	_ =	sfence.sel $0xFFFF  }
0xbf: {  	[dreg:$0x0] =	wrdreg $0xFFFFFFFF;
	(pc) =	sbr.abs _section_cstart, $3  }
0xc0: {  	[dreg:$0x1] =	wrdreg $0xFFFFFFFF  }
0xc1: {  	_ =	task.clear_ibuf [dreg:s7], $0x2FFFF;
	_ =	strace $0x9FFFFFFF  }
0xc2: {  	(tm) =	ssettm $0x7FFFFFFF  }
0xc3: {  	_ =	shalt  }
tec
execute0_lowered:
.L_overlay_start_1:
0x0: {  	(tag) =	ssettag $0x1  }
0x1: {  	s1 =	stileid.u32  }
0x2: {  	p0 =	sgt.u32 s1, $0x1  }
.Ltmp0:
0x3: {  	_ = 	snop;
	(pc) =	sbr.rel @p0 .LBB2_7-.Ltmp0, $4  }
0x4: {  	s4 =	rddreg [dreg:$0x0]  }
0x5: {  	s6 =	rddreg [dreg:$0x1];
	s2 =	simm.s32 $0x0  }
0x6: {  	[smem:$0x7FF] =	sst s2  }
0x7: {  	s0 =	rddreg [dreg:$0x2];
	_ =	strace $0x80000047  }
0x8: {  	s3 =	srdreg.scid;
	s30 =	sshll.u32 s1, $0x1  }
0x9: {  	s9 =	sadd.s32 $0x400, s4;
	s13 =	simm.s32 $0x1800;
	s14 =	simm.s32 $0x2000  }
0xa: {  	s15 =	simm.s32 $0x2A80;
	s16 =	simm.s32 $0x80;
	s5 =	sand.u32 $0x1, s3  }
0xb: {  	s17 =	simm.s32 $0x200;
	s3 =	sor.u32 s5, s30;
	s11 =	ssub.s32 $0x2, s5  }
0xc: {  	s8 =	sshll.u32 s3, $0x8;
	s7 =	sshll.u32 s3, $0x4;
	s12 =	sshrl.u32 s11, $0x1  }
0xd: {  	s3 =	sadd.s32 s4, s8;
	s10 =	sadd.s32 s7, s4;
	s6 =	sadd.s32 s6, s7  }
0xe: {  	s31 =	ssub.s32 s11, s12;
	s8 =	sadd.s32 s9, s8;
	s11 =	simm.s32 $0x800  }
0xf: {  	s12 =	simm.s32 $0x1000;
	s4 =	sadd.s32 $0xC00, s3;
	s5 =	sadd.s32 $0x800, s3  }
0x10: {  	v0 =	vimm.s32 $0x0;
	v1 =	vimm.f32 $0.0e+00;
	v2 =	vlaneseq.u32;
	s7 =	sadd.s32 $0x1000, s10;
	s9 =	smax.u32 s31, $0x1;
	s10 =	simm.s32 $0x1  }
.LBB2_2:
0x11: {  	s18 =	simm.s32 $0x0  }
0x12: {  	[tilespmem:s18], [sflag:$0x1] =	stream.linear.gather [hbm4b:s8+s18], $0x800, $0x38;
	[tilespmem:$0x3500] =	vst v63  }
0x13: {  	_ =	swait.ge [sflag:s10], $0x800  }
0x14: {  	[sflag:s10] =	ssyncset.done $0x0  }
0x15: {  	[sflag:s10] =	ssyncadd.s32 $0xFFFFF800  }
0x16: {  	[tilespmem:s11], [sflag:$0x1] =	stream.linear.gather [hbm4b:s4+s18], $0x800, $0x38;
	[tilespmem:$0x3500] =	vst v63  }
0x17: {  	_ =	swait.ge [sflag:s10], $0x800  }
0x18: {  	[sflag:s10] =	ssyncset.done $0x0  }
0x19: {  	[sflag:s10] =	ssyncadd.s32 $0xFFFFF800  }
0x1a: {  	[tilespmem:s12], [sflag:$0x1] =	stream.linear.gather [hbm4b:s3+s18], $0x800, $0x38;
	[tilespmem:$0x3500] =	vst v63  }
0x1b: {  	_ =	swait.ge [sflag:s10], $0x800  }
0x1c: {  	[sflag:s10] =	ssyncset.done $0x0  }
0x1d: {  	[sflag:s10] =	ssyncadd.s32 $0xFFFFF800  }
0x1e: {  	[tilespmem:s13], [sflag:$0x1] =	stream.linear.gather [hbm4b:s5+s18], $0x800, $0x38;
	[tilespmem:$0x3500] =	vst v63  }
0x1f: {  	_ =	swait.ge [sflag:s10], $0x800  }
0x20: {  	[sflag:s10] =	ssyncset.done $0x0  }
0x21: {  	s19 =	simm.s32 $0x0;
	[sflag:s10] =	ssyncadd.s32 $0xFFFFF800  }
.LBB2_3:
0x22: {  	p0 =	sne.s32 s19, $0x27C0  }
.Ltmp1:
0x23: {  	_ = 	snop;
	(pc) =	sbr.rel @p0 .LBB2_3-.Ltmp1, $4  }
0x24: {  	_ = 	snop  }
0x25: {  	s20 =	sshra.s32 s19, $0x2  }
0x26: {  	[tilespmem:s20+$0x2000] =	vst v0  }
0x27: {  	s19 =	sadd.s32 $0x40, s19;
	[tilespmem:s20+$0x2A80] =	vst v1  }
0x28: {  	s19 =	simm.s32 $0x800  }
0x29: {  	s20 =	simm.s32 $0x1000;
	s21 =	simm.s32 $0x1800;
	s22 =	simm.s32 $0x0  }
.LBB2_5:
0x2a: {  	v3 =	vld [tilespmem:s18+$0x0];
	_ =	sdelay $0x6  }
0x2b: {  	v4 =	vor.u32 s22, v2  }
0x2c: {  	[tilespmem:v3+s14+$0x0] =	vst.idx.msk $0xffff, v4  }
0x2d: {  	v5 =	vld [tilespmem:s19+$0x0];
	_ =	sdelay $0x4  }
0x2e: {  	[tilespmem:v3+s15+$0x0] =	vst.idx.msk $0xffff, v5  }
0x2f: {  	v3 =	vld [tilespmem:s20+$0x0];
	_ =	sdelay $0x7  }
0x30: {  	[tilespmem:v3+s14+$0x0] =	vst.idx.msk $0xffff, v4  }
0x31: {  	p0 =	sne.s32 s22, $0x7F0;
	v4 =	vld [tilespmem:s21+$0x0]  }
.Ltmp2:
0x32: {  	_ = 	snop;
	(pc) =	sbr.rel @p0 .LBB2_5-.Ltmp2, $3  }
0x33: {  	_ =	sdelay $0x1  }
0x34: {  	s18 =	sadd.s32 $0x10, s18;
	s22 =	sadd.s32 $0x10, s22  }
0x35: {  	s19 =	sadd.s32 $0x10, s19;
	s20 =	sadd.s32 $0x10, s20;
	s21 =	sadd.s32 $0x10, s21;
	[tilespmem:v3+s15+$0x0] =	vst.idx.msk $0xffff, v4  }
0x36: {  	[hbm4b:s6+s16] =	stream.strided.scatter [tilespmem:s14], [sflag:$0x1], $0xA00, s17, s16, $0x38;
	[tilespmem:$0x3500] =	vst v63  }
0x37: {  	s2 =	sadd.s32 $0x1, s2;
	_ =	swait.ge [sflag:s10], $0xA00  }
0x38: {  	p0 =	sne.s32 s2, s9;
	[sflag:s10] =	ssyncset.done $0x0  }
.Ltmp3:
0x39: {  	[sflag:s10] =	ssyncadd.s32 $0xFFFFF600;
	(pc) =	sbr.rel @p0 .LBB2_2-.Ltmp3, $4  }
0x3a: {  	[hbm4b:s7+s16] =	stream.strided.scatter [tilespmem:s15], [sflag:$0x1], $0xA00, s17, s16, $0x38;
	[tilespmem:$0x3500] =	vst v63  }
0x3b: {  	_ =	swait.ge [sflag:s10], $0xA00  }
0x3c: {  	[sflag:s10] =	ssyncset.done $0x0  }
0x3d: {  	[sflag:s10] =	ssyncadd.s32 $0xFFFFF600  }
.LBB2_7:
0x3e: {  	_ =	sfence.sel $0x180000  }
0x3f: {  	[bflag:$0x0] =	sbarrier.arrive $0xFFFF  }
0x40: {  	p0 =	sne.s32 s1, $0x0;
	_ =	strace $0x90000047  }
0x41: {  	s0 =	sadd.s32 @!p0 $0x100000, s0;
	[bflag:$0x2] =	sbarrier.arrive $0xFFFF  }
0x42: {  	[sflag:s0] =	ssyncadd.tile.s32 @!p0 $0x1;
	_ =	shalt  }
.Lfunc_end2:
_tile_overlayer_lowered:
.L_overlay_start_2:
0x43: {  	(tag) =	ssettag $0x2  }
0x44: {  	s0 =	rddreg [dreg:$0x0];
	s2 =	stileid.u32  }
0x45: {  	s1 =	rddreg [dreg:$0x1];
	p0 =	sne.s32 s2, $0x0  }
0x46: {  	s3 =	rddreg [dreg:$0x2];
	[bflag:$0x3] =	sbarrier.arrive $0xFFFF;
	s2 =	simm.s32 @!p0 $0x1C01  }
0x47: {  	[timem:s3], [sflag:s2] =	dma.local @!p0 [hbm:s0], s1  }
0x48: {  	s0 =	simm.s32 @!p0 $0x1  }
0x49: {  	_ =	swait.ge @!p0 [sflag:s0], s1  }
0x4a: {  	s1 =	ssub.s32 @!p0 $0x0, s1;
	[sflag:s0] =	ssyncset.done @!p0 $0x0  }
0x4b: {  	[sflag:s0] =	ssyncadd.s32 @!p0 s1  }
0x4c: {  	[bflag:$0x3] =	sbarrier.arrive $0xFFFF  }
0x4d: {  	_ =	shalt  }

</sc_bundles>
